<compile_context>
chip_gen: v7x
topology: tpu7x:2x2x1
jax: 0.10.2.dev20260603
libtpu: 0.0.44.dev20260713+nightly
codegen_flags: <defaults>
</compile_context>

<pallas_src>
import functools

import jax
import jax.numpy as jnp
from jax import lax
from jax.experimental import pallas as pl
from jax.experimental.pallas import tpu as pltpu
from jax.experimental.pallas import tpu_sc as plsc


def _tc_body(
    cap,
    num_tokens,
    x_ref,
    wg_ref,
    idx1_ref,
    idx2_ref,
    g1_ref,
    g2_ref,
    l1_ref,
    l2r_ref,
    cnt_ref,
    laux_ref,
    ut_ref,
    c1_acc,
    c2_acc,
    me_acc,
):
    blk = x_ref.shape[0]
    ne = wg_ref.shape[0]
    i = pl.program_id(0)
    nb = pl.num_programs(0)

    @pl.when(i == 0)
    def _init():
        c1_acc[...] = jnp.zeros_like(c1_acc)
        c2_acc[...] = jnp.zeros_like(c2_acc)
        me_acc[...] = jnp.zeros_like(me_acc)
        r = lax.broadcasted_iota(jnp.int32, (blk, blk), 0)
        c = lax.broadcasted_iota(jnp.int32, (blk, blk), 1)
        ut_ref[...] = (r <= c).astype(jnp.float32)

    logits = lax.dot_general(
        wg_ref[...],
        x_ref[...],
        (((1,), (1,)), ((), ())),
        preferred_element_type=jnp.float32,
    )

    iota = lax.broadcasted_iota(jnp.int32, (ne, blk), 0)
    m1 = jnp.max(logits, axis=0)
    idx1 = jnp.min(jnp.where(logits == m1[None, :], iota, ne), axis=0)
    oh1 = iota == idx1[None, :]
    logits2 = jnp.where(oh1, -jnp.inf, logits)
    m2 = jnp.max(logits2, axis=0)
    idx2 = jnp.min(jnp.where(logits2 == m2[None, :], iota, ne), axis=0)
    oh2 = iota == idx2[None, :]

    e = jnp.exp(logits - m1[None, :])
    denom = jnp.sum(e, axis=0)
    g1 = 1.0 / denom
    g2 = jnp.exp(m2 - m1) / denom

    mh1 = oh1.astype(jnp.float32)
    mh2 = oh2.astype(jnp.float32)
    ut = ut_ref[...]
    cs1 = jnp.dot(mh1, ut, preferred_element_type=jnp.float32).astype(jnp.int32)
    cs2 = jnp.dot(mh2, ut, preferred_element_type=jnp.float32).astype(jnp.int32)
    c1_prev = c1_acc[...]
    c2_prev = c2_acc[...]
    loc1_full = cs1 - 1 + c1_prev
    loc2_full = cs2 - 1 + c2_prev
    loc1 = jnp.sum(jnp.where(oh1, loc1_full, 0), axis=0)
    loc2r = jnp.sum(jnp.where(oh2, loc2_full, 0), axis=0)
    loc1_s = jnp.where(loc1 < cap, loc1, 0)

    me_new = me_acc[...] + jnp.sum(e * (1.0 / denom)[None, :], axis=1, keepdims=True)
    c1_new = c1_prev + cs1[:, blk - 1 : blk]
    c2_new = c2_prev + cs2[:, blk - 1 : blk]
    c1_acc[...] = c1_new
    c2_acc[...] = c2_new
    me_acc[...] = me_new

    idx1_ref[0, 0, :] = idx1
    idx2_ref[0, 0, :] = idx2
    g1_ref[0, 0, :] = g1
    g2_ref[0, 0, :] = g2
    l1_ref[0, 0, :] = loc1_s
    l2r_ref[0, 0, :] = idx2 * 16384 + loc2r

    @pl.when(i == nb - 1)
    def _fin():
        cnt_ref[...] = c1_new
        ce = jnp.minimum(c1_new, cap).astype(jnp.float32)
        laux_ref[0, 0] = jnp.sum(me_new * ce) * jnp.float32(
            ne / (num_tokens * num_tokens)
        )


def _tc_stage(x, wg, cap, blk):
    nt, d = x.shape
    ne = wg.shape[0]
    nb = nt // blk
    tok3 = lambda dt: jax.ShapeDtypeStruct((nb, 1, blk), dt)
    tok_spec = pl.BlockSpec((1, 1, blk), lambda i: (i, 0, 0))
    return pl.pallas_call(
        functools.partial(_tc_body, cap, nt),
        grid=(nb,),
        in_specs=[
            pl.BlockSpec((blk, d), lambda i: (i, 0)),
            pl.BlockSpec((ne, d), lambda i: (0, 0)),
        ],
        out_specs=[
            tok_spec,
            tok_spec,
            tok_spec,
            tok_spec,
            tok_spec,
            tok_spec,
            pl.BlockSpec((ne, 1), lambda i: (0, 0)),
            pl.BlockSpec((1, 1), lambda i: (0, 0), memory_space=pltpu.SMEM),
        ],
        out_shape=[
            tok3(jnp.int32),
            tok3(jnp.int32),
            tok3(jnp.float32),
            tok3(jnp.float32),
            tok3(jnp.int32),
            tok3(jnp.int32),
            jax.ShapeDtypeStruct((ne, 1), jnp.int32),
            jax.ShapeDtypeStruct((1, 1), jnp.float32),
        ],
        scratch_shapes=[
            pltpu.VMEM((blk, blk), jnp.float32),
            pltpu.VMEM((ne, 1), jnp.int32),
            pltpu.VMEM((ne, 1), jnp.int32),
            pltpu.VMEM((ne, 1), jnp.float32),
        ],
        compiler_params=pltpu.CompilerParams(
            dimension_semantics=("arbitrary",),
        ),
    )(x, wg)


def _sc_fixup(packed, counts, cap):
    nt = packed.shape[0]
    ne = counts.shape[0]
    info = plsc.get_sparse_core_info()
    nc, ns, lanes = info.num_cores, info.num_subcores, info.num_lanes
    nw = nc * ns
    chunk = nt // nw
    mesh = plsc.VectorSubcoreMesh(core_axis_name="c", subcore_axis_name="s")

    @functools.partial(
        pl.kernel,
        mesh=mesh,
        out_type=jax.ShapeDtypeStruct((nt,), jnp.int32),
        scratch_types=[
            pltpu.VMEM((chunk,), jnp.int32),
            pltpu.VMEM((ne,), jnp.int32),
            pltpu.VMEM((chunk,), jnp.int32),
            pltpu.SemaphoreType.DMA,
            pltpu.SemaphoreType.DMA,
        ],
        compiler_params=pltpu.CompilerParams(needs_layout_passes=False),
    )
    def k(pk_hbm, cnt_hbm, out_hbm, pk_v, cnt_v, out_v, sem1, sem2):
        wid = lax.axis_index("s") * nc + lax.axis_index("c")
        base = wid * chunk
        cp1 = pltpu.async_copy(pk_hbm.at[pl.ds(base, chunk)], pk_v, sem1)
        cp2 = pltpu.async_copy(cnt_hbm, cnt_v, sem2)
        cp1.wait()
        cp2.wait()
        for j in range(chunk // lanes):
            sl = pl.ds(j * lanes, lanes)
            pk = pk_v[sl]
            idx = lax.shift_right_logical(pk, 14)
            raw = pk & 16383
            cv = plsc.load_gather(cnt_v, [idx])
            loc2 = raw + cv
            out_v[sl] = jnp.where(loc2 < cap, loc2, 0)
        pltpu.sync_copy(out_v, out_hbm.at[pl.ds(base, chunk)])

    return k(packed, counts)


def kernel(input, wg):
    nt, d = input.shape
    ne = wg.shape[0]
    cap = 2 * ((nt + ne - 1) // ne)
    blk = 1024

    (idx1, idx2, g1, g2, l1, packed, counts, laux) = _tc_stage(input, wg, cap, blk)
    idx1 = idx1.reshape(nt)
    idx2 = idx2.reshape(nt)
    g1 = g1.reshape(nt)
    g2 = g2.reshape(nt)
    l1 = l1.reshape(nt)
    packed = packed.reshape(nt)
    counts = counts.reshape(ne)

    l2 = _sc_fixup(packed, counts, cap)

    return (
        laux[0, 0],
        cap,
        ne,
        (idx1, idx2),
        (l1, l2),
        (g1, g2),
    )

# --- scband reference (transcript-rebuilt; emitter-appended) ---
"""Pipeline reference for scband-top2-gate-61538291417527 (READ-ONLY COPY).

The authoritative reference and input builder live on the scoring server;
editing this copy changes nothing except your own understanding.
"""

import jax, jax.numpy as jnp
import numpy as np

CAPACITY_FACTOR = 1.0


def setup_inputs(seed: int = 0) -> dict:
    key = jax.random.key(seed)
    k1, k2 = jax.random.split(key)
    x = jax.random.normal(k1, (8192, 2048), dtype=jnp.float32)
    # Linear(model_dim=2048 -> num_experts=64, bias=False): weight shape [64, 2048]
    wg = jax.random.normal(k2, (64, 2048), dtype=jnp.float32) * 0.02
    return {"input": x, "wg": wg}


def reference(input, wg):
    logits = input @ wg.T
    num_tokens, num_experts = logits.shape[0], logits.shape[1]
    capacity = 2 * int(CAPACITY_FACTOR * ((num_tokens + num_experts - 1) // num_experts))
    _, top2_indices = jax.lax.top_k(logits, 2)
    indices1_s = top2_indices[:, 0]
    indices2_s = top2_indices[:, 1]
    mask1 = jax.nn.one_hot(indices1_s, num_experts, dtype=jnp.int32)
    mask2 = jax.nn.one_hot(indices2_s, num_experts, dtype=jnp.int32)
    gates = jax.nn.softmax(logits, axis=1)
    gates1_s = jnp.sum(gates * mask1.astype(gates.dtype), axis=1)
    gates2_s = jnp.sum(gates * mask2.astype(gates.dtype), axis=1)
    locations1 = jnp.cumsum(mask1, axis=0) - 1
    locations2 = jnp.cumsum(mask2, axis=0) - 1
    locations2 = locations2 + jnp.sum(mask1, axis=0, keepdims=True)
    mask1 = mask1 * (locations1 < capacity).astype(mask1.dtype)
    mask2 = mask2 * (locations2 < capacity).astype(mask2.dtype)
    locations1_s = jnp.sum(locations1 * mask1, axis=1)
    locations2_s = jnp.sum(locations2 * mask2, axis=1)
    # gates is float32 -> torch takes the sum-based l_aux branch
    me = jnp.sum(gates, axis=0)
    ce = jnp.sum(mask1.astype(gates.dtype), axis=0)
    l_aux = jnp.sum(me * ce) * (num_experts / (gates.shape[0] * gates.shape[0]))
    return (
        l_aux,
        capacity,
        num_experts,
        (indices1_s.astype(jnp.int32), indices2_s.astype(jnp.int32)),
        (locations1_s.astype(jnp.int32), locations2_s.astype(jnp.int32)),
        (gates1_s, gates2_s),
    )

if __name__ == "__main__":
    import jax
    _d = setup_inputs()
    print(jax.jit(kernel)(*tuple(_d.values())))

</pallas_src>

<mosaic_0001>
#map = affine_map<(d0, d1) -> (0)>
module attributes {stable_mosaic.version = 14 : i64} {
  func.func @k(%arg0: i32, %arg1: i32, %arg2: memref<8192xi32, #tpu.memory_space<hbm>>, %arg3: memref<64xi32, #tpu.memory_space<hbm>>, %arg4: memref<8192xi32, #tpu.memory_space<hbm>>, %arg5: memref<256xi32, #tpu.memory_space<vmem>>, %arg6: memref<64xi32, #tpu.memory_space<vmem>>, %arg7: memref<256xi32, #tpu.memory_space<vmem>>, %arg8: memref<!tpu.dma_semaphore, #tpu.memory_space<semaphore_mem>>, %arg9: memref<!tpu.dma_semaphore, #tpu.memory_space<semaphore_mem>>) attributes {dimension_semantics = [#tpu.dimension_semantics<core_parallel>, #tpu.dimension_semantics<subcore_parallel>], iteration_bounds = array<i64: 2, 16>, scalar_prefetch = 0 : i64, scratch_operands = 5 : i64, tpu.core_type = #tpu.core_type<sc_vector_subcore>, window_params = [{transform_indices = #map}, {transform_indices = #map}, {transform_indices = #map}]} {
    %mul3A = arith.constant 2 : i32
    %mul3A_0 = arith.muli %arg1, %mul3A : i32
    %add3A = arith.addi %mul3A_0, %arg0 : i32
    %mul3A_1 = arith.constant 256 : i32
    %mul3A_2 = arith.muli %add3A, %mul3A_1 : i32
    %dma_start3A = tpu.memref_slice %arg2[%mul3A_2] : memref<8192xi32, #tpu.memory_space<hbm>> -> memref<256xi32, #tpu.memory_space<hbm>>
    %dma_start3A_3 = tpu.memref_slice %arg2[%mul3A_2] : memref<8192xi32, #tpu.memory_space<hbm>> -> memref<256xi32, #tpu.memory_space<hbm>>
    tpu.enqueue_dma source(%dma_start3A_3 : memref<256xi32, #tpu.memory_space<hbm>>) target(%arg5 : memref<256xi32, #tpu.memory_space<vmem>>) target_semaphore(%arg8 : memref<!tpu.dma_semaphore, #tpu.memory_space<semaphore_mem>>)
    tpu.enqueue_dma source(%arg3 : memref<64xi32, #tpu.memory_space<hbm>>) target(%arg6 : memref<64xi32, #tpu.memory_space<vmem>>) target_semaphore(%arg9 : memref<!tpu.dma_semaphore, #tpu.memory_space<semaphore_mem>>)
    %dma_wait3A = tpu.memref_slice %arg2[%mul3A_2] : memref<8192xi32, #tpu.memory_space<hbm>> -> memref<256xi32, #tpu.memory_space<hbm>>
    %dma_wait3A_4 = tpu.memref_slice %arg2[%mul3A_2] : memref<8192xi32, #tpu.memory_space<hbm>> -> memref<256xi32, #tpu.memory_space<hbm>>
    tpu.wait_dma2 semaphore(%arg8 : memref<!tpu.dma_semaphore, #tpu.memory_space<semaphore_mem>>) src(%dma_wait3A_4 : memref<256xi32, #tpu.memory_space<hbm>>) dst(%arg5 : memref<256xi32, #tpu.memory_space<vmem>>)
    tpu.wait_dma2 semaphore(%arg9 : memref<!tpu.dma_semaphore, #tpu.memory_space<semaphore_mem>>) src(%arg3 : memref<64xi32, #tpu.memory_space<hbm>>) dst(%arg6 : memref<64xi32, #tpu.memory_space<vmem>>)
    %get3A = arith.constant 0 : index
    %get3A_5 = tpu.vector_load %arg5[%get3A] {strides = array<i32>} : memref<256xi32, #tpu.memory_space<vmem>>, vector<16xi32>,
    %shift_right_logical3A = arith.constant 14 : i32
    %shift_right_logical3A_6 = vector.broadcast %shift_right_logical3A : i32 to vector<16xi32>
    %shift_right_logical3A_7 = arith.shrui %get3A_5, %shift_right_logical3A_6 : vector<16xi32>
    %and3A = arith.constant 16383 : i32
    %and3A_8 = vector.broadcast %and3A : i32 to vector<16xi32>
    %and3A_9 = arith.andi %get3A_5, %and3A_8 : vector<16xi32>
    %gather3A = tpu.vector_load_idx %arg6[%shift_right_logical3A_7] : memref<64xi32, #tpu.memory_space<vmem>>[vector<16xi32>], vector<16xi32>,
    %add3A_10 = arith.addi %and3A_9, %gather3A : vector<16xi32>
    %lt3A = arith.constant 256 : i32
    %lt3A_11 = vector.broadcast %lt3A : i32 to vector<16xi32>
    %lt3A_12 = arith.cmpi slt, %add3A_10, %lt3A_11 : vector<16xi32>
    %jit3A = arith.constant 0 : i32
    %broadcast_in_dim3A = vector.broadcast %jit3A : i32 to vector<16xi32>
    %select_n3A = arith.select %lt3A_12, %add3A_10, %broadcast_in_dim3A : vector<16xi1>, vector<16xi32>
    %swap3A = arith.constant 0 : index
    %swap3A_13 = tpu.vector_load %arg7[%swap3A] {strides = array<i32>} : memref<256xi32, #tpu.memory_space<vmem>>, vector<16xi32>,
    tpu.vector_store %arg7[%swap3A], %select_n3A {strides = array<i32>} : memref<256xi32, #tpu.memory_space<vmem>>, vector<16xi32>,
    %get3A_14 = arith.constant 16 : index
    %get3A_15 = tpu.vector_load %arg5[%get3A_14] {strides = array<i32>} : memref<256xi32, #tpu.memory_space<vmem>>, vector<16xi32>,
    %shift_right_logical3A_16 = arith.constant 14 : i32
    %shift_right_logical3A_17 = vector.broadcast %shift_right_logical3A_16 : i32 to vector<16xi32>
    %shift_right_logical3A_18 = arith.shrui %get3A_15, %shift_right_logical3A_17 : vector<16xi32>
    %and3A_19 = arith.constant 16383 : i32
    %and3A_20 = vector.broadcast %and3A_19 : i32 to vector<16xi32>
    %and3A_21 = arith.andi %get3A_15, %and3A_20 : vector<16xi32>
    %gather3A_22 = tpu.vector_load_idx %arg6[%shift_right_logical3A_18] : memref<64xi32, #tpu.memory_space<vmem>>[vector<16xi32>], vector<16xi32>,
    %add3A_23 = arith.addi %and3A_21, %gather3A_22 : vector<16xi32>
    %lt3A_24 = arith.constant 256 : i32
    %lt3A_25 = vector.broadcast %lt3A_24 : i32 to vector<16xi32>
    %lt3A_26 = arith.cmpi slt, %add3A_23, %lt3A_25 : vector<16xi32>
    %jit3A_27 = arith.constant 0 : i32
    %broadcast_in_dim3A_28 = vector.broadcast %jit3A_27 : i32 to vector<16xi32>
    %select_n3A_29 = arith.select %lt3A_26, %add3A_23, %broadcast_in_dim3A_28 : vector<16xi1>, vector<16xi32>
    %swap3A_30 = arith.constant 16 : index
    %swap3A_31 = tpu.vector_load %arg7[%swap3A_30] {strides = array<i32>} : memref<256xi32, #tpu.memory_space<vmem>>, vector<16xi32>,
    tpu.vector_store %arg7[%swap3A_30], %select_n3A_29 {strides = array<i32>} : memref<256xi32, #tpu.memory_space<vmem>>, vector<16xi32>,
    %get3A_32 = arith.constant 32 : index
    %get3A_33 = tpu.vector_load %arg5[%get3A_32] {strides = array<i32>} : memref<256xi32, #tpu.memory_space<vmem>>, vector<16xi32>,
    %shift_right_logical3A_34 = arith.constant 14 : i32
    %shift_right_logical3A_35 = vector.broadcast %shift_right_logical3A_34 : i32 to vector<16xi32>
    %shift_right_logical3A_36 = arith.shrui %get3A_33, %shift_right_logical3A_35 : vector<16xi32>
    %and3A_37 = arith.constant 16383 : i32
    %and3A_38 = vector.broadcast %and3A_37 : i32 to vector<16xi32>
    %and3A_39 = arith.andi %get3A_33, %and3A_38 : vector<16xi32>
    %gather3A_40 = tpu.vector_load_idx %arg6[%shift_right_logical3A_36] : memref<64xi32, #tpu.memory_space<vmem>>[vector<16xi32>], vector<16xi32>,
    %add3A_41 = arith.addi %and3A_39, %gather3A_40 : vector<16xi32>
    %lt3A_42 = arith.constant 256 : i32
    %lt3A_43 = vector.broadcast %lt3A_42 : i32 to vector<16xi32>
    %lt3A_44 = arith.cmpi slt, %add3A_41, %lt3A_43 : vector<16xi32>
    %jit3A_45 = arith.constant 0 : i32
    %broadcast_in_dim3A_46 = vector.broadcast %jit3A_45 : i32 to vector<16xi32>
    %select_n3A_47 = arith.select %lt3A_44, %add3A_41, %broadcast_in_dim3A_46 : vector<16xi1>, vector<16xi32>
    %swap3A_48 = arith.constant 32 : index
    %swap3A_49 = tpu.vector_load %arg7[%swap3A_48] {strides = array<i32>} : memref<256xi32, #tpu.memory_space<vmem>>, vector<16xi32>,
    tpu.vector_store %arg7[%swap3A_48], %select_n3A_47 {strides = array<i32>} : memref<256xi32, #tpu.memory_space<vmem>>, vector<16xi32>,
    %get3A_50 = arith.constant 48 : index
    %get3A_51 = tpu.vector_load %arg5[%get3A_50] {strides = array<i32>} : memref<256xi32, #tpu.memory_space<vmem>>, vector<16xi32>,
    %shift_right_logical3A_52 = arith.constant 14 : i32
    %shift_right_logical3A_53 = vector.broadcast %shift_right_logical3A_52 : i32 to vector<16xi32>
    %shift_right_logical3A_54 = arith.shrui %get3A_51, %shift_right_logical3A_53 : vector<16xi32>
    %and3A_55 = arith.constant 16383 : i32
    %and3A_56 = vector.broadcast %and3A_55 : i32 to vector<16xi32>
    %and3A_57 = arith.andi %get3A_51, %and3A_56 : vector<16xi32>
    %gather3A_58 = tpu.vector_load_idx %arg6[%shift_right_logical3A_54] : memref<64xi32, #tpu.memory_space<vmem>>[vector<16xi32>], vector<16xi32>,
    %add3A_59 = arith.addi %and3A_57, %gather3A_58 : vector<16xi32>
    %lt3A_60 = arith.constant 256 : i32
    %lt3A_61 = vector.broadcast %lt3A_60 : i32 to vector<16xi32>
    %lt3A_62 = arith.cmpi slt, %add3A_59, %lt3A_61 : vector<16xi32>
    %jit3A_63 = arith.constant 0 : i32
    %broadcast_in_dim3A_64 = vector.broadcast %jit3A_63 : i32 to vector<16xi32>
    %select_n3A_65 = arith.select %lt3A_62, %add3A_59, %broadcast_in_dim3A_64 : vector<16xi1>, vector<16xi32>
    %swap3A_66 = arith.constant 48 : index
    %swap3A_67 = tpu.vector_load %arg7[%swap3A_66] {strides = array<i32>} : memref<256xi32, #tpu.memory_space<vmem>>, vector<16xi32>,
    tpu.vector_store %arg7[%swap3A_66], %select_n3A_65 {strides = array<i32>} : memref<256xi32, #tpu.memory_space<vmem>>, vector<16xi32>,
    %get3A_68 = arith.constant 64 : index
    %get3A_69 = tpu.vector_load %arg5[%get3A_68] {strides = array<i32>} : memref<256xi32, #tpu.memory_space<vmem>>, vector<16xi32>,
    %shift_right_logical3A_70 = arith.constant 14 : i32
    %shift_right_logical3A_71 = vector.broadcast %shift_right_logical3A_70 : i32 to vector<16xi32>
    %shift_right_logical3A_72 = arith.shrui %get3A_69, %shift_right_logical3A_71 : vector<16xi32>
    %and3A_73 = arith.constant 16383 : i32
    %and3A_74 = vector.broadcast %and3A_73 : i32 to vector<16xi32>
    %and3A_75 = arith.andi %get3A_69, %and3A_74 : vector<16xi32>
    %gather3A_76 = tpu.vector_load_idx %arg6[%shift_right_logical3A_72] : memref<64xi32, #tpu.memory_space<vmem>>[vector<16xi32>], vector<16xi32>,
    %add3A_77 = arith.addi %and3A_75, %gather3A_76 : vector<16xi32>
    %lt3A_78 = arith.constant 256 : i32
    %lt3A_79 = vector.broadcast %lt3A_78 : i32 to vector<16xi32>
    %lt3A_80 = arith.cmpi slt, %add3A_77, %lt3A_79 : vector<16xi32>
    %jit3A_81 = arith.constant 0 : i32
    %broadcast_in_dim3A_82 = vector.broadcast %jit3A_81 : i32 to vector<16xi32>
    %select_n3A_83 = arith.select %lt3A_80, %add3A_77, %broadcast_in_dim3A_82 : vector<16xi1>, vector<16xi32>
    %swap3A_84 = arith.constant 64 : index
    %swap3A_85 = tpu.vector_load %arg7[%swap3A_84] {strides = array<i32>} : memref<256xi32, #tpu.memory_space<vmem>>, vector<16xi32>,
    tpu.vector_store %arg7[%swap3A_84], %select_n3A_83 {strides = array<i32>} : memref<256xi32, #tpu.memory_space<vmem>>, vector<16xi32>,
    %get3A_86 = arith.constant 80 : index
    %get3A_87 = tpu.vector_load %arg5[%get3A_86] {strides = array<i32>} : memref<256xi32, #tpu.memory_space<vmem>>, vector<16xi32>,
    %shift_right_logical3A_88 = arith.constant 14 : i32
    %shift_right_logical3A_89 = vector.broadcast %shift_right_logical3A_88 : i32 to vector<16xi32>
    %shift_right_logical3A_90 = arith.shrui %get3A_87, %shift_right_logical3A_89 : vector<16xi32>
    %and3A_91 = arith.constant 16383 : i32
    %and3A_92 = vector.broadcast %and3A_91 : i32 to vector<16xi32>
    %and3A_93 = arith.andi %get3A_87, %and3A_92 : vector<16xi32>
    %gather3A_94 = tpu.vector_load_idx %arg6[%shift_right_logical3A_90] : memref<64xi32, #tpu.memory_space<vmem>>[vector<16xi32>], vector<16xi32>,
    %add3A_95 = arith.addi %and3A_93, %gather3A_94 : vector<16xi32>
    %lt3A_96 = arith.constant 256 : i32
    %lt3A_97 = vector.broadcast %lt3A_96 : i32 to vector<16xi32>
    %lt3A_98 = arith.cmpi slt, %add3A_95, %lt3A_97 : vector<16xi32>
    %jit3A_99 = arith.constant 0 : i32
    %broadcast_in_dim3A_100 = vector.broadcast %jit3A_99 : i32 to vector<16xi32>
    %select_n3A_101 = arith.select %lt3A_98, %add3A_95, %broadcast_in_dim3A_100 : vector<16xi1>, vector<16xi32>
    %swap3A_102 = arith.constant 80 : index
    %swap3A_103 = tpu.vector_load %arg7[%swap3A_102] {strides = array<i32>} : memref<256xi32, #tpu.memory_space<vmem>>, vector<16xi32>,
    tpu.vector_store %arg7[%swap3A_102], %select_n3A_101 {strides = array<i32>} : memref<256xi32, #tpu.memory_space<vmem>>, vector<16xi32>,
    %get3A_104 = arith.constant 96 : index
    %get3A_105 = tpu.vector_load %arg5[%get3A_104] {strides = array<i32>} : memref<256xi32, #tpu.memory_space<vmem>>, vector<16xi32>,
    %shift_right_logical3A_106 = arith.constant 14 : i32
    %shift_right_logical3A_107 = vector.broadcast %shift_right_logical3A_106 : i32 to vector<16xi32>
    %shift_right_logical3A_108 = arith.shrui %get3A_105, %shift_right_logical3A_107 : vector<16xi32>
    %and3A_109 = arith.constant 16383 : i32
    %and3A_110 = vector.broadcast %and3A_109 : i32 to vector<16xi32>
    %and3A_111 = arith.andi %get3A_105, %and3A_110 : vector<16xi32>
    %gather3A_112 = tpu.vector_load_idx %arg6[%shift_right_logical3A_108] : memref<64xi32, #tpu.memory_space<vmem>>[vector<16xi32>], vector<16xi32>,
    %add3A_113 = arith.addi %and3A_111, %gather3A_112 : vector<16xi32>
    %lt3A_114 = arith.constant 256 : i32
    %lt3A_115 = vector.broadcast %lt3A_114 : i32 to vector<16xi32>
    %lt3A_116 = arith.cmpi slt, %add3A_113, %lt3A_115 : vector<16xi32>
    %jit3A_117 = arith.constant 0 : i32
    %broadcast_in_dim3A_118 = vector.broadcast %jit3A_117 : i32 to vector<16xi32>
    %select_n3A_119 = arith.select %lt3A_116, %add3A_113, %broadcast_in_dim3A_118 : vector<16xi1>, vector<16xi32>
    %swap3A_120 = arith.constant 96 : index
    %swap3A_121 = tpu.vector_load %arg7[%swap3A_120] {strides = array<i32>} : memref<256xi32, #tpu.memory_space<vmem>>, vector<16xi32>,
    tpu.vector_store %arg7[%swap3A_120], %select_n3A_119 {strides = array<i32>} : memref<256xi32, #tpu.memory_space<vmem>>, vector<16xi32>,
    %get3A_122 = arith.constant 112 : index
    %get3A_123 = tpu.vector_load %arg5[%get3A_122] {strides = array<i32>} : memref<256xi32, #tpu.memory_space<vmem>>, vector<16xi32>,
    %shift_right_logical3A_124 = arith.constant 14 : i32
    %shift_right_logical3A_125 = vector.broadcast %shift_right_logical3A_124 : i32 to vector<16xi32>
    %shift_right_logical3A_126 = arith.shrui %get3A_123, %shift_right_logical3A_125 : vector<16xi32>
    %and3A_127 = arith.constant 16383 : i32
    %and3A_128 = vector.broadcast %and3A_127 : i32 to vector<16xi32>
    %and3A_129 = arith.andi %get3A_123, %and3A_128 : vector<16xi32>
    %gather3A_130 = tpu.vector_load_idx %arg6[%shift_right_logical3A_126] : memref<64xi32, #tpu.memory_space<vmem>>[vector<16xi32>], vector<16xi32>,
    %add3A_131 = arith.addi %and3A_129, %gather3A_130 : vector<16xi32>
    %lt3A_132 = arith.constant 256 : i32
    %lt3A_133 = vector.broadcast %lt3A_132 : i32 to vector<16xi32>
    %lt3A_134 = arith.cmpi slt, %add3A_131, %lt3A_133 : vector<16xi32>
    %jit3A_135 = arith.constant 0 : i32
    %broadcast_in_dim3A_136 = vector.broadcast %jit3A_135 : i32 to vector<16xi32>
    %select_n3A_137 = arith.select %lt3A_134, %add3A_131, %broadcast_in_dim3A_136 : vector<16xi1>, vector<16xi32>
    %swap3A_138 = arith.constant 112 : index
    %swap3A_139 = tpu.vector_load %arg7[%swap3A_138] {strides = array<i32>} : memref<256xi32, #tpu.memory_space<vmem>>, vector<16xi32>,
    tpu.vector_store %arg7[%swap3A_138], %select_n3A_137 {strides = array<i32>} : memref<256xi32, #tpu.memory_space<vmem>>, vector<16xi32>,
    %get3A_140 = arith.constant 128 : index
    %get3A_141 = tpu.vector_load %arg5[%get3A_140] {strides = array<i32>} : memref<256xi32, #tpu.memory_space<vmem>>, vector<16xi32>,
    %shift_right_logical3A_142 = arith.constant 14 : i32
    %shift_right_logical3A_143 = vector.broadcast %shift_right_logical3A_142 : i32 to vector<16xi32>
    %shift_right_logical3A_144 = arith.shrui %get3A_141, %shift_right_logical3A_143 : vector<16xi32>
    %and3A_145 = arith.constant 16383 : i32
    %and3A_146 = vector.broadcast %and3A_145 : i32 to vector<16xi32>
    %and3A_147 = arith.andi %get3A_141, %and3A_146 : vector<16xi32>
    %gather3A_148 = tpu.vector_load_idx %arg6[%shift_right_logical3A_144] : memref<64xi32, #tpu.memory_space<vmem>>[vector<16xi32>], vector<16xi32>,
    %add3A_149 = arith.addi %and3A_147, %gather3A_148 : vector<16xi32>
    %lt3A_150 = arith.constant 256 : i32
    %lt3A_151 = vector.broadcast %lt3A_150 : i32 to vector<16xi32>
    %lt3A_152 = arith.cmpi slt, %add3A_149, %lt3A_151 : vector<16xi32>
    %jit3A_153 = arith.constant 0 : i32
    %broadcast_in_dim3A_154 = vector.broadcast %jit3A_153 : i32 to vector<16xi32>
    %select_n3A_155 = arith.select %lt3A_152, %add3A_149, %broadcast_in_dim3A_154 : vector<16xi1>, vector<16xi32>
    %swap3A_156 = arith.constant 128 : index
    %swap3A_157 = tpu.vector_load %arg7[%swap3A_156] {strides = array<i32>} : memref<256xi32, #tpu.memory_space<vmem>>, vector<16xi32>,
    tpu.vector_store %arg7[%swap3A_156], %select_n3A_155 {strides = array<i32>} : memref<256xi32, #tpu.memory_space<vmem>>, vector<16xi32>,
    %get3A_158 = arith.constant 144 : index
    %get3A_159 = tpu.vector_load %arg5[%get3A_158] {strides = array<i32>} : memref<256xi32, #tpu.memory_space<vmem>>, vector<16xi32>,
    %shift_right_logical3A_160 = arith.constant 14 : i32
    %shift_right_logical3A_161 = vector.broadcast %shift_right_logical3A_160 : i32 to vector<16xi32>
    %shift_right_logical3A_162 = arith.shrui %get3A_159, %shift_right_logical3A_161 : vector<16xi32>
    %and3A_163 = arith.constant 16383 : i32
    %and3A_164 = vector.broadcast %and3A_163 : i32 to vector<16xi32>
    %and3A_165 = arith.andi %get3A_159, %and3A_164 : vector<16xi32>
    %gather3A_166 = tpu.vector_load_idx %arg6[%shift_right_logical3A_162] : memref<64xi32, #tpu.memory_space<vmem>>[vector<16xi32>], vector<16xi32>,
    %add3A_167 = arith.addi %and3A_165, %gather3A_166 : vector<16xi32>
    %lt3A_168 = arith.constant 256 : i32
    %lt3A_169 = vector.broadcast %lt3A_168 : i32 to vector<16xi32>
    %lt3A_170 = arith.cmpi slt, %add3A_167, %lt3A_169 : vector<16xi32>
    %jit3A_171 = arith.constant 0 : i32
    %broadcast_in_dim3A_172 = vector.broadcast %jit3A_171 : i32 to vector<16xi32>
    %select_n3A_173 = arith.select %lt3A_170, %add3A_167, %broadcast_in_dim3A_172 : vector<16xi1>, vector<16xi32>
    %swap3A_174 = arith.constant 144 : index
    %swap3A_175 = tpu.vector_load %arg7[%swap3A_174] {strides = array<i32>} : memref<256xi32, #tpu.memory_space<vmem>>, vector<16xi32>,
    tpu.vector_store %arg7[%swap3A_174], %select_n3A_173 {strides = array<i32>} : memref<256xi32, #tpu.memory_space<vmem>>, vector<16xi32>,
    %get3A_176 = arith.constant 160 : index
    %get3A_177 = tpu.vector_load %arg5[%get3A_176] {strides = array<i32>} : memref<256xi32, #tpu.memory_space<vmem>>, vector<16xi32>,
    %shift_right_logical3A_178 = arith.constant 14 : i32
    %shift_right_logical3A_179 = vector.broadcast %shift_right_logical3A_178 : i32 to vector<16xi32>
    %shift_right_logical3A_180 = arith.shrui %get3A_177, %shift_right_logical3A_179 : vector<16xi32>
    %and3A_181 = arith.constant 16383 : i32
    %and3A_182 = vector.broadcast %and3A_181 : i32 to vector<16xi32>
    %and3A_183 = arith.andi %get3A_177, %and3A_182 : vector<16xi32>
    %gather3A_184 = tpu.vector_load_idx %arg6[%shift_right_logical3A_180] : memref<64xi32, #tpu.memory_space<vmem>>[vector<16xi32>], vector<16xi32>,
    %add3A_185 = arith.addi %and3A_183, %gather3A_184 : vector<16xi32>
    %lt3A_186 = arith.constant 256 : i32
    %lt3A_187 = vector.broadcast %lt3A_186 : i32 to vector<16xi32>
    %lt3A_188 = arith.cmpi slt, %add3A_185, %lt3A_187 : vector<16xi32>
    %jit3A_189 = arith.constant 0 : i32
    %broadcast_in_dim3A_190 = vector.broadcast %jit3A_189 : i32 to vector<16xi32>
    %select_n3A_191 = arith.select %lt3A_188, %add3A_185, %broadcast_in_dim3A_190 : vector<16xi1>, vector<16xi32>
    %swap3A_192 = arith.constant 160 : index
    %swap3A_193 = tpu.vector_load %arg7[%swap3A_192] {strides = array<i32>} : memref<256xi32, #tpu.memory_space<vmem>>, vector<16xi32>,
    tpu.vector_store %arg7[%swap3A_192], %select_n3A_191 {strides = array<i32>} : memref<256xi32, #tpu.memory_space<vmem>>, vector<16xi32>,
    %get3A_194 = arith.constant 176 : index
    %get3A_195 = tpu.vector_load %arg5[%get3A_194] {strides = array<i32>} : memref<256xi32, #tpu.memory_space<vmem>>, vector<16xi32>,
    %shift_right_logical3A_196 = arith.constant 14 : i32
    %shift_right_logical3A_197 = vector.broadcast %shift_right_logical3A_196 : i32 to vector<16xi32>
    %shift_right_logical3A_198 = arith.shrui %get3A_195, %shift_right_logical3A_197 : vector<16xi32>
    %and3A_199 = arith.constant 16383 : i32
    %and3A_200 = vector.broadcast %and3A_199 : i32 to vector<16xi32>
    %and3A_201 = arith.andi %get3A_195, %and3A_200 : vector<16xi32>
    %gather3A_202 = tpu.vector_load_idx %arg6[%shift_right_logical3A_198] : memref<64xi32, #tpu.memory_space<vmem>>[vector<16xi32>], vector<16xi32>,
    %add3A_203 = arith.addi %and3A_201, %gather3A_202 : vector<16xi32>
    %lt3A_204 = arith.constant 256 : i32
    %lt3A_205 = vector.broadcast %lt3A_204 : i32 to vector<16xi32>
    %lt3A_206 = arith.cmpi slt, %add3A_203, %lt3A_205 : vector<16xi32>
    %jit3A_207 = arith.constant 0 : i32
    %broadcast_in_dim3A_208 = vector.broadcast %jit3A_207 : i32 to vector<16xi32>
    %select_n3A_209 = arith.select %lt3A_206, %add3A_203, %broadcast_in_dim3A_208 : vector<16xi1>, vector<16xi32>
    %swap3A_210 = arith.constant 176 : index
    %swap3A_211 = tpu.vector_load %arg7[%swap3A_210] {strides = array<i32>} : memref<256xi32, #tpu.memory_space<vmem>>, vector<16xi32>,
    tpu.vector_store %arg7[%swap3A_210], %select_n3A_209 {strides = array<i32>} : memref<256xi32, #tpu.memory_space<vmem>>, vector<16xi32>,
    %get3A_212 = arith.constant 192 : index
    %get3A_213 = tpu.vector_load %arg5[%get3A_212] {strides = array<i32>} : memref<256xi32, #tpu.memory_space<vmem>>, vector<16xi32>,
    %shift_right_logical3A_214 = arith.constant 14 : i32
    %shift_right_logical3A_215 = vector.broadcast %shift_right_logical3A_214 : i32 to vector<16xi32>
    %shift_right_logical3A_216 = arith.shrui %get3A_213, %shift_right_logical3A_215 : vector<16xi32>
    %and3A_217 = arith.constant 16383 : i32
    %and3A_218 = vector.broadcast %and3A_217 : i32 to vector<16xi32>
    %and3A_219 = arith.andi %get3A_213, %and3A_218 : vector<16xi32>
    %gather3A_220 = tpu.vector_load_idx %arg6[%shift_right_logical3A_216] : memref<64xi32, #tpu.memory_space<vmem>>[vector<16xi32>], vector<16xi32>,
    %add3A_221 = arith.addi %and3A_219, %gather3A_220 : vector<16xi32>
    %lt3A_222 = arith.constant 256 : i32
    %lt3A_223 = vector.broadcast %lt3A_222 : i32 to vector<16xi32>
    %lt3A_224 = arith.cmpi slt, %add3A_221, %lt3A_223 : vector<16xi32>
    %jit3A_225 = arith.constant 0 : i32
    %broadcast_in_dim3A_226 = vector.broadcast %jit3A_225 : i32 to vector<16xi32>
    %select_n3A_227 = arith.select %lt3A_224, %add3A_221, %broadcast_in_dim3A_226 : vector<16xi1>, vector<16xi32>
    %swap3A_228 = arith.constant 192 : index
    %swap3A_229 = tpu.vector_load %arg7[%swap3A_228] {strides = array<i32>} : memref<256xi32, #tpu.memory_space<vmem>>, vector<16xi32>,
    tpu.vector_store %arg7[%swap3A_228], %select_n3A_227 {strides = array<i32>} : memref<256xi32, #tpu.memory_space<vmem>>, vector<16xi32>,
    %get3A_230 = arith.constant 208 : index
    %get3A_231 = tpu.vector_load %arg5[%get3A_230] {strides = array<i32>} : memref<256xi32, #tpu.memory_space<vmem>>, vector<16xi32>,
    %shift_right_logical3A_232 = arith.constant 14 : i32
    %shift_right_logical3A_233 = vector.broadcast %shift_right_logical3A_232 : i32 to vector<16xi32>
    %shift_right_logical3A_234 = arith.shrui %get3A_231, %shift_right_logical3A_233 : vector<16xi32>
    %and3A_235 = arith.constant 16383 : i32
    %and3A_236 = vector.broadcast %and3A_235 : i32 to vector<16xi32>
    %and3A_237 = arith.andi %get3A_231, %and3A_236 : vector<16xi32>
    %gather3A_238 = tpu.vector_load_idx %arg6[%shift_right_logical3A_234] : memref<64xi32, #tpu.memory_space<vmem>>[vector<16xi32>], vector<16xi32>,
    %add3A_239 = arith.addi %and3A_237, %gather3A_238 : vector<16xi32>
    %lt3A_240 = arith.constant 256 : i32
    %lt3A_241 = vector.broadcast %lt3A_240 : i32 to vector<16xi32>
    %lt3A_242 = arith.cmpi slt, %add3A_239, %lt3A_241 : vector<16xi32>
    %jit3A_243 = arith.constant 0 : i32
    %broadcast_in_dim3A_244 = vector.broadcast %jit3A_243 : i32 to vector<16xi32>
    %select_n3A_245 = arith.select %lt3A_242, %add3A_239, %broadcast_in_dim3A_244 : vector<16xi1>, vector<16xi32>
    %swap3A_246 = arith.constant 208 : index
    %swap3A_247 = tpu.vector_load %arg7[%swap3A_246] {strides = array<i32>} : memref<256xi32, #tpu.memory_space<vmem>>, vector<16xi32>,
    tpu.vector_store %arg7[%swap3A_246], %select_n3A_245 {strides = array<i32>} : memref<256xi32, #tpu.memory_space<vmem>>, vector<16xi32>,
    %get3A_248 = arith.constant 224 : index
    %get3A_249 = tpu.vector_load %arg5[%get3A_248] {strides = array<i32>} : memref<256xi32, #tpu.memory_space<vmem>>, vector<16xi32>,
    %shift_right_logical3A_250 = arith.constant 14 : i32
    %shift_right_logical3A_251 = vector.broadcast %shift_right_logical3A_250 : i32 to vector<16xi32>
    %shift_right_logical3A_252 = arith.shrui %get3A_249, %shift_right_logical3A_251 : vector<16xi32>
    %and3A_253 = arith.constant 16383 : i32
    %and3A_254 = vector.broadcast %and3A_253 : i32 to vector<16xi32>
    %and3A_255 = arith.andi %get3A_249, %and3A_254 : vector<16xi32>
    %gather3A_256 = tpu.vector_load_idx %arg6[%shift_right_logical3A_252] : memref<64xi32, #tpu.memory_space<vmem>>[vector<16xi32>], vector<16xi32>,
    %add3A_257 = arith.addi %and3A_255, %gather3A_256 : vector<16xi32>
    %lt3A_258 = arith.constant 256 : i32
    %lt3A_259 = vector.broadcast %lt3A_258 : i32 to vector<16xi32>
    %lt3A_260 = arith.cmpi slt, %add3A_257, %lt3A_259 : vector<16xi32>
    %jit3A_261 = arith.constant 0 : i32
    %broadcast_in_dim3A_262 = vector.broadcast %jit3A_261 : i32 to vector<16xi32>
    %select_n3A_263 = arith.select %lt3A_260, %add3A_257, %broadcast_in_dim3A_262 : vector<16xi1>, vector<16xi32>
    %swap3A_264 = arith.constant 224 : index
    %swap3A_265 = tpu.vector_load %arg7[%swap3A_264] {strides = array<i32>} : memref<256xi32, #tpu.memory_space<vmem>>, vector<16xi32>,
    tpu.vector_store %arg7[%swap3A_264], %select_n3A_263 {strides = array<i32>} : memref<256xi32, #tpu.memory_space<vmem>>, vector<16xi32>,
    %get3A_266 = arith.constant 240 : index
    %get3A_267 = tpu.vector_load %arg5[%get3A_266] {strides = array<i32>} : memref<256xi32, #tpu.memory_space<vmem>>, vector<16xi32>,
    %shift_right_logical3A_268 = arith.constant 14 : i32
    %shift_right_logical3A_269 = vector.broadcast %shift_right_logical3A_268 : i32 to vector<16xi32>
    %shift_right_logical3A_270 = arith.shrui %get3A_267, %shift_right_logical3A_269 : vector<16xi32>
    %and3A_271 = arith.constant 16383 : i32
    %and3A_272 = vector.broadcast %and3A_271 : i32 to vector<16xi32>
    %and3A_273 = arith.andi %get3A_267, %and3A_272 : vector<16xi32>
    %gather3A_274 = tpu.vector_load_idx %arg6[%shift_right_logical3A_270] : memref<64xi32, #tpu.memory_space<vmem>>[vector<16xi32>], vector<16xi32>,
    %add3A_275 = arith.addi %and3A_273, %gather3A_274 : vector<16xi32>
    %lt3A_276 = arith.constant 256 : i32
    %lt3A_277 = vector.broadcast %lt3A_276 : i32 to vector<16xi32>
    %lt3A_278 = arith.cmpi slt, %add3A_275, %lt3A_277 : vector<16xi32>
    %jit3A_279 = arith.constant 0 : i32
    %broadcast_in_dim3A_280 = vector.broadcast %jit3A_279 : i32 to vector<16xi32>
    %select_n3A_281 = arith.select %lt3A_278, %add3A_275, %broadcast_in_dim3A_280 : vector<16xi1>, vector<16xi32>
    %swap3A_282 = arith.constant 240 : index
    %swap3A_283 = tpu.vector_load %arg7[%swap3A_282] {strides = array<i32>} : memref<256xi32, #tpu.memory_space<vmem>>, vector<16xi32>,
    tpu.vector_store %arg7[%swap3A_282], %select_n3A_281 {strides = array<i32>} : memref<256xi32, #tpu.memory_space<vmem>>, vector<16xi32>,
    "tpu.region"() ({
      %run_scoped3A = tpu.sem_alloc : memref<!tpu.dma_semaphore, #tpu.memory_space<semaphore_mem>>
      %dma_start3A_284 = tpu.memref_slice %arg4[%mul3A_2] : memref<8192xi32, #tpu.memory_space<hbm>> -> memref<256xi32, #tpu.memory_space<hbm>>
      %dma_start3A_285 = tpu.memref_slice %arg4[%mul3A_2] : memref<8192xi32, #tpu.memory_space<hbm>> -> memref<256xi32, #tpu.memory_space<hbm>>
      tpu.enqueue_dma source(%arg7 : memref<256xi32, #tpu.memory_space<vmem>>) target(%dma_start3A_285 : memref<256xi32, #tpu.memory_space<hbm>>) target_semaphore(%run_scoped3A : memref<!tpu.dma_semaphore, #tpu.memory_space<semaphore_mem>>)
      %dma_wait3A_286 = tpu.memref_slice %arg4[%mul3A_2] : memref<8192xi32, #tpu.memory_space<hbm>> -> memref<256xi32, #tpu.memory_space<hbm>>
      %dma_wait3A_287 = tpu.memref_slice %arg4[%mul3A_2] : memref<8192xi32, #tpu.memory_space<hbm>> -> memref<256xi32, #tpu.memory_space<hbm>>
      tpu.wait_dma2 semaphore(%run_scoped3A : memref<!tpu.dma_semaphore, #tpu.memory_space<semaphore_mem>>) src(%arg7 : memref<256xi32, #tpu.memory_space<vmem>>) dst(%dma_wait3A_287 : memref<256xi32, #tpu.memory_space<hbm>>)
      tpu.yield
    }) : () -> ()
    return
  }
}

module attributes {stable_mosaic.version = 14 : i64} {
  func.func @_tc_body(%arg0: i32, %arg1: memref<1024x2048xf32, #tpu.memory_space<vmem>>, %arg2: memref<64x2048xf32, #tpu.memory_space<vmem>>, %arg3: memref<1x1x1024xi32, #tpu.memory_space<vmem>>, %arg4: memref<1x1x1024xi32, #tpu.memory_space<vmem>>, %arg5: memref<1x1x1024xf32, #tpu.memory_space<vmem>>, %arg6: memref<1x1x1024xf32, #tpu.memory_space<vmem>>, %arg7: memref<1x1x1024xi32, #tpu.memory_space<vmem>>, %arg8: memref<1x1x1024xi32, #tpu.memory_space<vmem>>, %arg9: memref<64x1xi32, #tpu.memory_space<vmem>>, %arg10: memref<1x1xf32, #tpu.memory_space<smem>>, %arg11: memref<1024x1024xf32, #tpu.memory_space<vmem>>, %arg12: memref<64x1xi32, #tpu.memory_space<vmem>>, %arg13: memref<64x1xi32, #tpu.memory_space<vmem>>, %arg14: memref<64x1xf32, #tpu.memory_space<vmem>>) attributes {dimension_semantics = [#tpu.dimension_semantics<arbitrary>], iteration_bounds = array<i64: 8>, scalar_prefetch = 0 : i64, scratch_operands = 4 : i64, tpu.core_type = #tpu.core_type<tc>, window_params = [{transform_indices = @transform_0, window_bounds = array<i64: 1024, 2048>}, {pipeline_mode = #tpu.pipeline_mode<synchronous>, transform_indices = @transform_1, window_bounds = array<i64: 64, 2048>}, {transform_indices = @transform_2, window_bounds = array<i64: 1, 1, 1024>}, {transform_indices = @transform_3, window_bounds = array<i64: 1, 1, 1024>}, {transform_indices = @transform_4, window_bounds = array<i64: 1, 1, 1024>}, {transform_indices = @transform_5, window_bounds = array<i64: 1, 1, 1024>}, {transform_indices = @transform_6, window_bounds = array<i64: 1, 1, 1024>}, {transform_indices = @transform_7, window_bounds = array<i64: 1, 1, 1024>}, {pipeline_mode = #tpu.pipeline_mode<synchronous>, transform_indices = @transform_8, window_bounds = array<i64: 64, 1>}, {transform_indices = @transform_9, window_bounds = array<i64: 1, 1>}]} {
    %eq3A = arith.constant 0 : i32
    %eq3A_0 = arith.cmpi eq, %arg0, %eq3A : i32
    %convert_element_type3A = arith.extui %eq3A_0 : i1 to i32
    %cond3A = arith.constant 0 : i32
    %cond3A_1 = arith.cmpi ne, %convert_element_type3A, %cond3A : i32
    scf.if %cond3A_1 {
      %broadcast_in_dim3A_151 = arith.constant 0 : i32
      %broadcast_in_dim3A_152 = vector.broadcast %broadcast_in_dim3A_151 : i32 to vector<64x1xi32>
      %swap3A_153 = arith.constant 0 : index
      %swap3A_154 = arith.constant 0 : index
      %swap3A_155 = vector.load %arg12[%swap3A_153, %swap3A_154] : memref<64x1xi32, #tpu.memory_space<vmem>>, vector<64x1xi32>
      tpu.vector_store %arg12[%swap3A_153, %swap3A_154], %broadcast_in_dim3A_152 {strides = array<i32>} : memref<64x1xi32, #tpu.memory_space<vmem>>, vector<64x1xi32>,
      %broadcast_in_dim3A_156 = arith.constant 0 : i32
      %broadcast_in_dim3A_157 = vector.broadcast %broadcast_in_dim3A_156 : i32 to vector<64x1xi32>
      %swap3A_158 = arith.constant 0 : index
      %swap3A_159 = arith.constant 0 : index
      %swap3A_160 = vector.load %arg13[%swap3A_158, %swap3A_159] : memref<64x1xi32, #tpu.memory_space<vmem>>, vector<64x1xi32>
      tpu.vector_store %arg13[%swap3A_158, %swap3A_159], %broadcast_in_dim3A_157 {strides = array<i32>} : memref<64x1xi32, #tpu.memory_space<vmem>>, vector<64x1xi32>,
      %broadcast_in_dim3A_161 = arith.constant 0.000000e+00 : f32
      %broadcast_in_dim3A_162 = vector.broadcast %broadcast_in_dim3A_161 : f32 to vector<64x1xf32>
      %swap3A_163 = arith.constant 0 : index
      %swap3A_164 = arith.constant 0 : index
      %swap3A_165 = vector.load %arg14[%swap3A_163, %swap3A_164] : memref<64x1xf32, #tpu.memory_space<vmem>>, vector<64x1xf32>
      tpu.vector_store %arg14[%swap3A_163, %swap3A_164], %broadcast_in_dim3A_162 {strides = array<i32>} : memref<64x1xf32, #tpu.memory_space<vmem>>, vector<64x1xf32>,
      %iota3A_166 = tpu.iota {dimensions = array<i32: 0>} : vector<1024x1024xi32>
      %iota3A_167 = tpu.iota {dimensions = array<i32: 1>} : vector<1024x1024xi32>
      %le3A = arith.cmpi sle, %iota3A_166, %iota3A_167 : vector<1024x1024xi32>
      %convert_element_type3A_168 = arith.extui %le3A : vector<1024x1024xi1> to vector<1024x1024xi32>
      %convert_element_type3A_169 = arith.sitofp %convert_element_type3A_168 : vector<1024x1024xi32> to vector<1024x1024xf32>
      %swap3A_170 = arith.constant 0 : index
      %swap3A_171 = arith.constant 0 : index
      %swap3A_172 = vector.load %arg11[%swap3A_170, %swap3A_171] : memref<1024x1024xf32, #tpu.memory_space<vmem>>, vector<1024x1024xf32>
      tpu.vector_store %arg11[%swap3A_170, %swap3A_171], %convert_element_type3A_169 {strides = array<i32>} : memref<1024x1024xf32, #tpu.memory_space<vmem>>, vector<1024x1024xf32>,
    } else {
    }
    %get3A = arith.constant 0 : index
    %get3A_2 = arith.constant 0 : index
    %get3A_3 = vector.load %arg2[%get3A, %get3A_2] : memref<64x2048xf32, #tpu.memory_space<vmem>>, vector<64x2048xf32>
    %get3A_4 = arith.constant 0 : index
    %get3A_5 = arith.constant 0 : index
    %get3A_6 = vector.load %arg1[%get3A_4, %get3A_5] : memref<1024x2048xf32, #tpu.memory_space<vmem>>, vector<1024x2048xf32>
    %dot_general3A = arith.constant dense<0.000000e+00> : vector<64x1024xf32>
    %dot_general3A_7 = tpu.matmul %get3A_3, %get3A_6, %dot_general3A {dimension_numbers = #tpu.dot_dimension_numbers<[1], [1], [0], [0], [0, 0, 1, 0], [], []>, transpose_lhs_hint = false} : vector<64x2048xf32>, vector<1024x2048xf32>, vector<64x1024xf32> -> vector<64x1024xf32>
    %iota3A = tpu.iota {dimensions = array<i32: 0>} : vector<64x1024xi32>
    %reduce_max3A = arith.constant dense<0xFF800000> : vector<1024xf32>
    %reduce_max3A_8 = vector.multi_reduction <maximumf>, %dot_general3A_7, %reduce_max3A [0] : vector<64x1024xf32> to vector<1024xf32>
    %broadcast_in_dim3A = vector.shape_cast %reduce_max3A_8 : vector<1024xf32> to vector<1x1024xf32>
    %eq3A_9 = vector.broadcast %broadcast_in_dim3A : vector<1x1024xf32> to vector<64x1024xf32>
    %eq3A_10 = arith.cmpf oeq, %dot_general3A_7, %eq3A_9 : vector<64x1024xf32>
    %jit3A = arith.constant 64 : i32
    %broadcast_in_dim3A_11 = vector.broadcast %jit3A : i32 to vector<64x1024xi32>
    %select_n3A = arith.select %eq3A_10, %iota3A, %broadcast_in_dim3A_11 : vector<64x1024xi1>, vector<64x1024xi32>
    %reduce_min3A = arith.constant dense<2147483647> : vector<1024xi32>
    %reduce_min3A_12 = vector.multi_reduction <minsi>, %select_n3A, %reduce_min3A [0] : vector<64x1024xi32> to vector<1024xi32>
    %broadcast_in_dim3A_13 = vector.shape_cast %reduce_min3A_12 : vector<1024xi32> to vector<1x1024xi32>
    %eq3A_14 = vector.broadcast %broadcast_in_dim3A_13 : vector<1x1024xi32> to vector<64x1024xi32>
    %eq3A_15 = arith.cmpi eq, %iota3A, %eq3A_14 : vector<64x1024xi32>
    %jit3A_16 = arith.constant 0xFF800000 : f32
    %broadcast_in_dim3A_17 = vector.broadcast %jit3A_16 : f32 to vector<64x1024xf32>
    %select_n3A_18 = arith.select %eq3A_15, %broadcast_in_dim3A_17, %dot_general3A_7 : vector<64x1024xi1>, vector<64x1024xf32>
    %reduce_max3A_19 = arith.constant dense<0xFF800000> : vector<1024xf32>
    %reduce_max3A_20 = vector.multi_reduction <maximumf>, %select_n3A_18, %reduce_max3A_19 [0] : vector<64x1024xf32> to vector<1024xf32>
    %broadcast_in_dim3A_21 = vector.shape_cast %reduce_max3A_20 : vector<1024xf32> to vector<1x1024xf32>
    %eq3A_22 = vector.broadcast %broadcast_in_dim3A_21 : vector<1x1024xf32> to vector<64x1024xf32>
    %eq3A_23 = arith.cmpf oeq, %select_n3A_18, %eq3A_22 : vector<64x1024xf32>
    %jit3A_24 = arith.constant 64 : i32
    %broadcast_in_dim3A_25 = vector.broadcast %jit3A_24 : i32 to vector<64x1024xi32>
    %select_n3A_26 = arith.select %eq3A_23, %iota3A, %broadcast_in_dim3A_25 : vector<64x1024xi1>, vector<64x1024xi32>
    %reduce_min3A_27 = arith.constant dense<2147483647> : vector<1024xi32>
    %reduce_min3A_28 = vector.multi_reduction <minsi>, %select_n3A_26, %reduce_min3A_27 [0] : vector<64x1024xi32> to vector<1024xi32>
    %broadcast_in_dim3A_29 = vector.shape_cast %reduce_min3A_28 : vector<1024xi32> to vector<1x1024xi32>
    %eq3A_30 = vector.broadcast %broadcast_in_dim3A_29 : vector<1x1024xi32> to vector<64x1024xi32>
    %eq3A_31 = arith.cmpi eq, %iota3A, %eq3A_30 : vector<64x1024xi32>
    %broadcast_in_dim3A_32 = vector.shape_cast %reduce_max3A_8 : vector<1024xf32> to vector<1x1024xf32>
    %sub3A = vector.broadcast %broadcast_in_dim3A_32 : vector<1x1024xf32> to vector<64x1024xf32>
    %sub3A_33 = arith.subf %dot_general3A_7, %sub3A : vector<64x1024xf32>
    %exp3A = math.exp %sub3A_33 : vector<64x1024xf32>
    %reduce_sum3A = arith.constant dense<0.000000e+00> : vector<1024xf32>
    %reduce_sum3A_34 = vector.multi_reduction <add>, %exp3A, %reduce_sum3A [0] : vector<64x1024xf32> to vector<1024xf32>
    %div3A = arith.constant 1.000000e+00 : f32
    %div3A_35 = vector.broadcast %div3A : f32 to vector<1024xf32>
    %div3A_36 = arith.divf %div3A_35, %reduce_sum3A_34 : vector<1024xf32>
    %sub3A_37 = arith.subf %reduce_max3A_20, %reduce_max3A_8 : vector<1024xf32>
    %exp3A_38 = math.exp %sub3A_37 : vector<1024xf32>
    %div3A_39 = arith.divf %exp3A_38, %reduce_sum3A_34 : vector<1024xf32>
    %convert_element_type3A_40 = arith.extui %eq3A_15 : vector<64x1024xi1> to vector<64x1024xi32>
    %convert_element_type3A_41 = arith.sitofp %convert_element_type3A_40 : vector<64x1024xi32> to vector<64x1024xf32>
    %convert_element_type3A_42 = arith.extui %eq3A_31 : vector<64x1024xi1> to vector<64x1024xi32>
    %convert_element_type3A_43 = arith.sitofp %convert_element_type3A_42 : vector<64x1024xi32> to vector<64x1024xf32>
    %get3A_44 = arith.constant 0 : index
    %get3A_45 = arith.constant 0 : index
    %get3A_46 = vector.load %arg11[%get3A_44, %get3A_45] : memref<1024x1024xf32, #tpu.memory_space<vmem>>, vector<1024x1024xf32>
    %dot_general3A_47 = arith.constant dense<0.000000e+00> : vector<64x1024xf32>
    %dot_general3A_48 = tpu.matmul %convert_element_type3A_41, %get3A_46, %dot_general3A_47 {dimension_numbers = #tpu.dot_dimension_numbers<[1], [0], [0], [1], [0, 0, 1, 1], [], []>, transpose_lhs_hint = false} : vector<64x1024xf32>, vector<1024x1024xf32>, vector<64x1024xf32> -> vector<64x1024xf32>
    %convert_element_type3A_49 = arith.fptosi %dot_general3A_48 : vector<64x1024xf32> to vector<64x1024xi32>
    %dot_general3A_50 = arith.constant dense<0.000000e+00> : vector<64x1024xf32>
    %dot_general3A_51 = tpu.matmul %convert_element_type3A_43, %get3A_46, %dot_general3A_50 {dimension_numbers = #tpu.dot_dimension_numbers<[1], [0], [0], [1], [0, 0, 1, 1], [], []>, transpose_lhs_hint = false} : vector<64x1024xf32>, vector<1024x1024xf32>, vector<64x1024xf32> -> vector<64x1024xf32>
    %convert_element_type3A_52 = arith.fptosi %dot_general3A_51 : vector<64x1024xf32> to vector<64x1024xi32>
    %get3A_53 = arith.constant 0 : index
    %get3A_54 = arith.constant 0 : index
    %get3A_55 = vector.load %arg12[%get3A_53, %get3A_54] : memref<64x1xi32, #tpu.memory_space<vmem>>, vector<64x1xi32>
    %get3A_56 = arith.constant 0 : index
    %get3A_57 = arith.constant 0 : index
    %get3A_58 = vector.load %arg13[%get3A_56, %get3A_57] : memref<64x1xi32, #tpu.memory_space<vmem>>, vector<64x1xi32>
    %sub3A_59 = arith.constant 1 : i32
    %sub3A_60 = vector.broadcast %sub3A_59 : i32 to vector<64x1024xi32>
    %sub3A_61 = arith.subi %convert_element_type3A_49, %sub3A_60 : vector<64x1024xi32>
    %add3A = vector.broadcast %get3A_55 : vector<64x1xi32> to vector<64x1024xi32>
    %add3A_62 = arith.addi %sub3A_61, %add3A : vector<64x1024xi32>
    %sub3A_63 = arith.constant 1 : i32
    %sub3A_64 = vector.broadcast %sub3A_63 : i32 to vector<64x1024xi32>
    %sub3A_65 = arith.subi %convert_element_type3A_52, %sub3A_64 : vector<64x1024xi32>
    %add3A_66 = vector.broadcast %get3A_58 : vector<64x1xi32> to vector<64x1024xi32>
    %add3A_67 = arith.addi %sub3A_65, %add3A_66 : vector<64x1024xi32>
    %jit3A_68 = arith.constant 0 : i32
    %broadcast_in_dim3A_69 = vector.broadcast %jit3A_68 : i32 to vector<64x1024xi32>
    %select_n3A_70 = arith.select %eq3A_15, %add3A_62, %broadcast_in_dim3A_69 : vector<64x1024xi1>, vector<64x1024xi32>
    %reduce_sum3A_71 = arith.constant dense<0> : vector<1024xi32>
    %reduce_sum3A_72 = vector.multi_reduction <add>, %select_n3A_70, %reduce_sum3A_71 [0] : vector<64x1024xi32> to vector<1024xi32>
    %jit3A_73 = arith.constant 0 : i32
    %broadcast_in_dim3A_74 = vector.broadcast %jit3A_73 : i32 to vector<64x1024xi32>
    %select_n3A_75 = arith.select %eq3A_31, %add3A_67, %broadcast_in_dim3A_74 : vector<64x1024xi1>, vector<64x1024xi32>
    %reduce_sum3A_76 = arith.constant dense<0> : vector<1024xi32>
    %reduce_sum3A_77 = vector.multi_reduction <add>, %select_n3A_75, %reduce_sum3A_76 [0] : vector<64x1024xi32> to vector<1024xi32>
    %lt3A = arith.constant 256 : i32
    %lt3A_78 = vector.broadcast %lt3A : i32 to vector<1024xi32>
    %lt3A_79 = arith.cmpi slt, %reduce_sum3A_72, %lt3A_78 : vector<1024xi32>
    %jit3A_80 = arith.constant 0 : i32
    %broadcast_in_dim3A_81 = vector.broadcast %jit3A_80 : i32 to vector<1024xi32>
    %select_n3A_82 = arith.select %lt3A_79, %reduce_sum3A_72, %broadcast_in_dim3A_81 : vector<1024xi1>, vector<1024xi32>
    %get3A_83 = arith.constant 0 : index
    %get3A_84 = arith.constant 0 : index
    %get3A_85 = vector.load %arg14[%get3A_83, %get3A_84] : memref<64x1xf32, #tpu.memory_space<vmem>>, vector<64x1xf32>
    %div3A_86 = arith.constant 1.000000e+00 : f32
    %div3A_87 = vector.broadcast %div3A_86 : f32 to vector<1024xf32>
    %div3A_88 = arith.divf %div3A_87, %reduce_sum3A_34 : vector<1024xf32>
    %broadcast_in_dim3A_89 = vector.shape_cast %div3A_88 : vector<1024xf32> to vector<1x1024xf32>
    %mul3A = vector.broadcast %broadcast_in_dim3A_89 : vector<1x1024xf32> to vector<64x1024xf32>
    %mul3A_90 = arith.mulf %exp3A, %mul3A : vector<64x1024xf32>
    %reduce_sum3A_91 = arith.constant dense<0.000000e+00> : vector<64xf32>
    %reduce_sum3A_92 = vector.multi_reduction <add>, %mul3A_90, %reduce_sum3A_91 [1] : vector<64x1024xf32> to vector<64xf32>
    %broadcast_in_dim3A_93 = vector.shape_cast %reduce_sum3A_92 : vector<64xf32> to vector<64x1xf32>
    %add3A_94 = arith.addf %get3A_85, %broadcast_in_dim3A_93 : vector<64x1xf32>
    %slice3A = vector.extract_strided_slice %convert_element_type3A_49 {offsets = [0, 1023], sizes = [64, 1], strides = [1, 1]} : vector<64x1024xi32> to vector<64x1xi32>
    %add3A_95 = arith.addi %get3A_55, %slice3A : vector<64x1xi32>
    %slice3A_96 = vector.extract_strided_slice %convert_element_type3A_52 {offsets = [0, 1023], sizes = [64, 1], strides = [1, 1]} : vector<64x1024xi32> to vector<64x1xi32>
    %add3A_97 = arith.addi %get3A_58, %slice3A_96 : vector<64x1xi32>
    %swap3A = arith.constant 0 : index
    %swap3A_98 = arith.constant 0 : index
    %swap3A_99 = vector.load %arg12[%swap3A, %swap3A_98] : memref<64x1xi32, #tpu.memory_space<vmem>>, vector<64x1xi32>
    tpu.vector_store %arg12[%swap3A, %swap3A_98], %add3A_95 {strides = array<i32>} : memref<64x1xi32, #tpu.memory_space<vmem>>, vector<64x1xi32>,
    %swap3A_100 = arith.constant 0 : index
    %swap3A_101 = arith.constant 0 : index
    %swap3A_102 = vector.load %arg13[%swap3A_100, %swap3A_101] : memref<64x1xi32, #tpu.memory_space<vmem>>, vector<64x1xi32>
    tpu.vector_store %arg13[%swap3A_100, %swap3A_101], %add3A_97 {strides = array<i32>} : memref<64x1xi32, #tpu.memory_space<vmem>>, vector<64x1xi32>,
    %swap3A_103 = arith.constant 0 : index
    %swap3A_104 = arith.constant 0 : index
    %swap3A_105 = vector.load %arg14[%swap3A_103, %swap3A_104] : memref<64x1xf32, #tpu.memory_space<vmem>>, vector<64x1xf32>
    tpu.vector_store %arg14[%swap3A_103, %swap3A_104], %add3A_94 {strides = array<i32>} : memref<64x1xf32, #tpu.memory_space<vmem>>, vector<64x1xf32>,
    %swap3A_106 = arith.constant 0 : index
    %swap3A_107 = arith.constant 0 : index
    %swap3A_108 = arith.constant 0 : index
    %swap3A_109 = vector.load %arg3[%swap3A_106, %swap3A_107, %swap3A_108] : memref<1x1x1024xi32, #tpu.memory_space<vmem>>, vector<1x1x1024xi32>
    %swap3A_110 = vector.shape_cast %swap3A_109 : vector<1x1x1024xi32> to vector<1024xi32>
    %swap3A_111 = vector.shape_cast %reduce_min3A_12 : vector<1024xi32> to vector<1x1x1024xi32>
    tpu.vector_store %arg3[%swap3A_106, %swap3A_107, %swap3A_108], %swap3A_111 {strides = array<i32>} : memref<1x1x1024xi32, #tpu.memory_space<vmem>>, vector<1x1x1024xi32>,
    %swap3A_112 = arith.constant 0 : index
    %swap3A_113 = arith.constant 0 : index
    %swap3A_114 = arith.constant 0 : index
    %swap3A_115 = vector.load %arg4[%swap3A_112, %swap3A_113, %swap3A_114] : memref<1x1x1024xi32, #tpu.memory_space<vmem>>, vector<1x1x1024xi32>
    %swap3A_116 = vector.shape_cast %swap3A_115 : vector<1x1x1024xi32> to vector<1024xi32>
    %swap3A_117 = vector.shape_cast %reduce_min3A_28 : vector<1024xi32> to vector<1x1x1024xi32>
    tpu.vector_store %arg4[%swap3A_112, %swap3A_113, %swap3A_114], %swap3A_117 {strides = array<i32>} : memref<1x1x1024xi32, #tpu.memory_space<vmem>>, vector<1x1x1024xi32>,
    %swap3A_118 = arith.constant 0 : index
    %swap3A_119 = arith.constant 0 : index
    %swap3A_120 = arith.constant 0 : index
    %swap3A_121 = vector.load %arg5[%swap3A_118, %swap3A_119, %swap3A_120] : memref<1x1x1024xf32, #tpu.memory_space<vmem>>, vector<1x1x1024xf32>
    %swap3A_122 = vector.shape_cast %swap3A_121 : vector<1x1x1024xf32> to vector<1024xf32>
    %swap3A_123 = vector.shape_cast %div3A_36 : vector<1024xf32> to vector<1x1x1024xf32>
    tpu.vector_store %arg5[%swap3A_118, %swap3A_119, %swap3A_120], %swap3A_123 {strides = array<i32>} : memref<1x1x1024xf32, #tpu.memory_space<vmem>>, vector<1x1x1024xf32>,
    %swap3A_124 = arith.constant 0 : index
    %swap3A_125 = arith.constant 0 : index
    %swap3A_126 = arith.constant 0 : index
    %swap3A_127 = vector.load %arg6[%swap3A_124, %swap3A_125, %swap3A_126] : memref<1x1x1024xf32, #tpu.memory_space<vmem>>, vector<1x1x1024xf32>
    %swap3A_128 = vector.shape_cast %swap3A_127 : vector<1x1x1024xf32> to vector<1024xf32>
    %swap3A_129 = vector.shape_cast %div3A_39 : vector<1024xf32> to vector<1x1x1024xf32>
    tpu.vector_store %arg6[%swap3A_124, %swap3A_125, %swap3A_126], %swap3A_129 {strides = array<i32>} : memref<1x1x1024xf32, #tpu.memory_space<vmem>>, vector<1x1x1024xf32>,
    %swap3A_130 = arith.constant 0 : index
    %swap3A_131 = arith.constant 0 : index
    %swap3A_132 = arith.constant 0 : index
    %swap3A_133 = vector.load %arg7[%swap3A_130, %swap3A_131, %swap3A_132] : memref<1x1x1024xi32, #tpu.memory_space<vmem>>, vector<1x1x1024xi32>
    %swap3A_134 = vector.shape_cast %swap3A_133 : vector<1x1x1024xi32> to vector<1024xi32>
    %swap3A_135 = vector.shape_cast %select_n3A_82 : vector<1024xi32> to vector<1x1x1024xi32>
    tpu.vector_store %arg7[%swap3A_130, %swap3A_131, %swap3A_132], %swap3A_135 {strides = array<i32>} : memref<1x1x1024xi32, #tpu.memory_space<vmem>>, vector<1x1x1024xi32>,
    %mul3A_136 = arith.constant 16384 : i32
    %mul3A_137 = vector.broadcast %mul3A_136 : i32 to vector<1024xi32>
    %mul3A_138 = arith.muli %reduce_min3A_28, %mul3A_137 : vector<1024xi32>
    %add3A_139 = arith.addi %mul3A_138, %reduce_sum3A_77 : vector<1024xi32>
    %swap3A_140 = arith.constant 0 : index
    %swap3A_141 = arith.constant 0 : index
    %swap3A_142 = arith.constant 0 : index
    %swap3A_143 = vector.load %arg8[%swap3A_140, %swap3A_141, %swap3A_142] : memref<1x1x1024xi32, #tpu.memory_space<vmem>>, vector<1x1x1024xi32>
    %swap3A_144 = vector.shape_cast %swap3A_143 : vector<1x1x1024xi32> to vector<1024xi32>
    %swap3A_145 = vector.shape_cast %add3A_139 : vector<1024xi32> to vector<1x1x1024xi32>
    tpu.vector_store %arg8[%swap3A_140, %swap3A_141, %swap3A_142], %swap3A_145 {strides = array<i32>} : memref<1x1x1024xi32, #tpu.memory_space<vmem>>, vector<1x1x1024xi32>,
    %eq3A_146 = arith.constant 7 : i32
    %eq3A_147 = arith.cmpi eq, %arg0, %eq3A_146 : i32
    %convert_element_type3A_148 = arith.extui %eq3A_147 : i1 to i32
    %cond3A_149 = arith.constant 0 : i32
    %cond3A_150 = arith.cmpi ne, %convert_element_type3A_148, %cond3A_149 : i32
    scf.if %cond3A_150 {
      %swap3A_151 = arith.constant 0 : index
      %swap3A_152 = arith.constant 0 : index
      %swap3A_153 = vector.load %arg9[%swap3A_151, %swap3A_152] : memref<64x1xi32, #tpu.memory_space<vmem>>, vector<64x1xi32>
      tpu.vector_store %arg9[%swap3A_151, %swap3A_152], %add3A_95 {strides = array<i32>} : memref<64x1xi32, #tpu.memory_space<vmem>>, vector<64x1xi32>,
      %min3A = arith.constant 256 : i32
      %min3A_154 = vector.broadcast %min3A : i32 to vector<64x1xi32>
      %min3A_155 = arith.minsi %add3A_95, %min3A_154 : vector<64x1xi32>
      %convert_element_type3A_156 = arith.sitofp %min3A_155 : vector<64x1xi32> to vector<64x1xf32>
      %mul3A_157 = arith.mulf %add3A_94, %convert_element_type3A_156 : vector<64x1xf32>
      %reduce_sum3A_158 = vector.shape_cast %mul3A_157 : vector<64x1xf32> to vector<1x64x1xf32>
      %reduce_sum3A_159 = arith.constant dense<0.000000e+00> : vector<1xf32>
      %reduce_sum3A_160 = vector.multi_reduction <add>, %reduce_sum3A_158, %reduce_sum3A_159 [1, 2] : vector<1x64x1xf32> to vector<1xf32>
      %reduce_sum3A_161 = vector.shape_cast %reduce_sum3A_160 : vector<1xf32> to vector<1x1x1xf32>
      %reduce_sum3A_162 = vector.extract %reduce_sum3A_161[0, 0, 0] : f32 from vector<1x1x1xf32>
      %mul3A_163 = arith.constant 9.53674316E-7 : f32
      %mul3A_164 = arith.mulf %reduce_sum3A_162, %mul3A_163 : f32
      %swap3A_165 = arith.constant 0 : index
      %swap3A_166 = arith.constant 0 : index
      %swap3A_167 = memref.load %arg10[%swap3A_165, %swap3A_166] : memref<1x1xf32, #tpu.memory_space<smem>>
      memref.store %mul3A_164, %arg10[%swap3A_165, %swap3A_166] : memref<1x1xf32, #tpu.memory_space<smem>>
    } else {
    }
    return
  }
  func.func @transform_0(%arg0: i32) -> (i32, i32) {
    %c0_i32 = arith.constant 0 : i32
    %c0_i32_0 = arith.constant 0 : i32
    return %arg0, %c0_i32 : i32, i32
  }
  func.func @transform_1(%arg0: i32) -> (i32, i32) {
    %c0_i32 = arith.constant 0 : i32
    %c0_i32_0 = arith.constant 0 : i32
    %c0_i32_1 = arith.constant 0 : i32
    return %c0_i32, %c0_i32_0 : i32, i32
  }
  func.func @transform_2(%arg0: i32) -> (i32, i32, i32) {
    %c0_i32 = arith.constant 0 : i32
    %c0_i32_0 = arith.constant 0 : i32
    %c0_i32_1 = arith.constant 0 : i32
    return %arg0, %c0_i32, %c0_i32_0 : i32, i32, i32
  }
  func.func @transform_3(%arg0: i32) -> (i32, i32, i32) {
    %c0_i32 = arith.constant 0 : i32
    %c0_i32_0 = arith.constant 0 : i32
    %c0_i32_1 = arith.constant 0 : i32
    return %arg0, %c0_i32, %c0_i32_0 : i32, i32, i32
  }
  func.func @transform_4(%arg0: i32) -> (i32, i32, i32) {
    %c0_i32 = arith.constant 0 : i32
    %c0_i32_0 = arith.constant 0 : i32
    %c0_i32_1 = arith.constant 0 : i32
    return %arg0, %c0_i32, %c0_i32_0 : i32, i32, i32
  }
  func.func @transform_5(%arg0: i32) -> (i32, i32, i32) {
    %c0_i32 = arith.constant 0 : i32
    %c0_i32_0 = arith.constant 0 : i32
    %c0_i32_1 = arith.constant 0 : i32
    return %arg0, %c0_i32, %c0_i32_0 : i32, i32, i32
  }
  func.func @transform_6(%arg0: i32) -> (i32, i32, i32) {
    %c0_i32 = arith.constant 0 : i32
    %c0_i32_0 = arith.constant 0 : i32
    %c0_i32_1 = arith.constant 0 : i32
    return %arg0, %c0_i32, %c0_i32_0 : i32, i32, i32
  }
  func.func @transform_7(%arg0: i32) -> (i32, i32, i32) {
    %c0_i32 = arith.constant 0 : i32
    %c0_i32_0 = arith.constant 0 : i32
    %c0_i32_1 = arith.constant 0 : i32
    return %arg0, %c0_i32, %c0_i32_0 : i32, i32, i32
  }
  func.func @transform_8(%arg0: i32) -> (i32, i32) {
    %c0_i32 = arith.constant 0 : i32
    %c0_i32_0 = arith.constant 0 : i32
    %c0_i32_1 = arith.constant 0 : i32
    return %c0_i32, %c0_i32_0 : i32, i32
  }
  func.func @transform_9(%arg0: i32) -> (i32, i32) {
    %c0_i32 = arith.constant 0 : i32
    %c0_i32_0 = arith.constant 0 : i32
    %c0_i32_1 = arith.constant 0 : i32
    return %c0_i32, %c0_i32_0 : i32, i32
  }
}

</mosaic_0001>

<sc_bundles>
// kernel: kernel.4.cloned.1.call-start
scs
__scs_entry_jumppad:
0x0: {  	(pc) =	sbr.rel $0x88, $3  }
0x1: {  	(tag) =	ssettag $0x0;
	lr =	simm.s32 $0x1  }
0x2: {  	[smem:$0x3F9F] =	sst lr;
	_ =	strace $0xD0000000  }
0x3: {  	_ = 	snop  }
0x4: {  	_ = 	snop  }
0x5: {  	_ = 	snop  }
0x6: {  	_ = 	snop  }
0x7: {  	_ = 	snop  }
__scs_overlays_trampoline_lowered:
0x8: {  	[smem:$0x3FAE] =	sst s0  }
0x9: {  	[smem:$0x3FAF] =	sst s1  }
0xa: {  	[smem:$0x3FB0] =	sst s2  }
0xb: {  	[smem:$0x3FB1] =	sst s3  }
0xc: {  	[smem:$0x3FB2] =	sst s4  }
0xd: {  	[smem:$0x3FB3] =	sst s5  }
0xe: {  	[smem:$0x3FB4] =	sst s6  }
0xf: {  	[smem:$0x3FB5] =	sst s7  }
0x10: {  	[smem:$0x3FB6] =	sst s8  }
0x11: {  	[smem:$0x3FB7] =	sst s9;
	s0 =	simm.s32 @!p0 $0x0  }
0x12: {  	s1 =	sld [smem:$0x3F9D];
	s0 =	simm.s32 @p0 $0x1  }
0x13: {  	[smem:$0x3FB8] =	sst s0;
	s0 =	simm.s32 @!p1 $0x0  }
0x14: {  	s2 =	sld [smem:$0x3F9C];
	s0 =	simm.s32 @p1 $0x1  }
0x15: {  	[smem:$0x3FB9] =	sst s0;
	s0 =	simm.s32 @!p2 $0x0  }
0x16: {  	s3 =	sld [smem:$0x3FDB];
	s0 =	simm.s32 @p2 $0x1  }
0x17: {  	s4 =	simm.s32 $0x1BF5;
	[smem:$0x3FBB] =	sst s0  }
0x18: {  	s0 =	sld [smem:$0x3F9E];
	_ =	swait.ge [sflag:s4], $0x0  }
0x19: {  	s7 =	sld [smem:$0x3F9F]  }
0x1a: {  	s8 =	sadd.s32 $0xFFFFE003, lr  }
0x1b: {  	s9 =	sadd.s32 $0xFFFFFEF7, lr;
	s5 =	simm.s32 $0xFFFFFFFF;
	p2 =	slt.u32 s8, $0xFFFFF086  }
0x1c: {  	p1 =	slt.u32 s9, $0xF7A;
	s5 =	simm.s32 @!p2 $0x0  }
0x1d: {  	s5 =	simm.s32 @p1 $0x1;
	p0 =	seq.s32 s7, s2  }
0x1e: {  	s7 =	smul.u32 @!p0 $0xF7A, s2;
	p2 =	seq.s32 @!p0 s5, $0x0  }
0x1f: {  	s9 =	smul.u32 $0xF7A, s1;
	s8 =	simm.s32 @!p0 $0x1BF5;
	p2 =	por !p2, p0  }
0x20: {  	[sflag:s8] =	ssyncset.s32 @!p0 $0xFFFFF086;
	s6 =	sadd.s32 @!p0 s3, s7;
	s7 =	simm.s32 @!p0 $0x108  }
0x21: {  	s3 =	sadd.s32 s3, s9;
	s6 =	sadd.s32 @!p0 $0x88, s6;
	s7 =	simm.s32 @p2 $0x1082  }
0x22: {  	[simem:s7], [sflag:s8] =	dma.local @!p0 [hbm:s6], $0xF7A  }
0x23: {  	s9 =	sor.u32 $0xD0000000, s2;
	s6 =	simm.s32 $0x108;
	_ =	swait.ge @!p0 [sflag:s8], $0x0  }
0x24: {  	s3 =	sadd.s32 $0x88, s3;
	s6 =	simm.s32 @!p1 $0x1082;
	[sflag:s4] =	ssyncset.s32 $0xFFFFF086  }
0x25: {  	[simem:s6], [sflag:s4] =	dma.local [hbm:s3], $0xF7A  }
0x26: {  	[smem:$0x3F9F] =	sst s1;
	(tag) =	ssettag s2;
	_ =	strace s9  }
0x27: {  	s1 =	sld [smem:$0x3FAF]  }
0x28: {  	s2 =	sld [smem:$0x3FB0]  }
0x29: {  	s4 =	sld [smem:$0x3FB2]  }
0x2a: {  	p0 =	seq.s32 s5, $0x0;
	s5 =	sld [smem:$0x3FB3]  }
0x2b: {  	s6 =	sld [smem:$0x3FB4]  }
0x2c: {  	s7 =	sld [smem:$0x3FB5]  }
0x2d: {  	s3 =	simm.s32 $0x108;
	s8 =	sld [smem:$0x3FB6]  }
0x2e: {  	s3 =	simm.s32 @!p0 $0x1082;
	s9 =	sld [smem:$0x3FB7]  }
0x2f: {  	lr =	sadd.s32 s0, s3;
	s0 =	sld [smem:$0x3FAE]  }
0x30: {  	s3 =	sld [smem:$0x3FB1]  }
0x31: {  	[smem:$0x3FBA] =	sst s10  }
0x32: {  	s10 =	sld [smem:$0x3FB8];
	_ =	sdelay $0x3  }
0x33: {  	p0 =	seq.s32 s10, $0x1;
	s10 =	sld [smem:$0x3FBA];
	_ =	sdelay $0x3  }
0x34: {  	[smem:$0x3FBA] =	sst s10  }
0x35: {  	s10 =	sld [smem:$0x3FB9];
	_ =	sdelay $0x3  }
0x36: {  	p1 =	seq.s32 s10, $0x1;
	s10 =	sld [smem:$0x3FBA];
	_ =	sdelay $0x3  }
0x37: {  	[smem:$0x3FBA] =	sst s10  }
0x38: {  	s10 =	sld [smem:$0x3FBB]  }
0x39: {  	_ = 	snop;
	(pc) =	sbr.ind lr, $3  }
0x3a: {  	_ = 	snop  }
0x3b: {  	_ = 	snop  }
0x3c: {  	p2 =	seq.s32 s10, $0x1;
	s10 =	sld [smem:$0x3FBA]  }
0x3d: {  	_ =	shalt  }
0x3e: {  	_ =	shalt  }
0x3f: {  	_ =	shalt  }
0x40: {  	_ =	shalt  }
0x41: {  	_ =	shalt  }
0x42: {  	_ =	shalt  }
0x43: {  	_ =	shalt  }
0x44: {  	_ =	shalt  }
0x45: {  	_ =	shalt  }
0x46: {  	_ =	shalt  }
0x47: {  	_ =	shalt  }
0x48: {  	_ =	shalt  }
0x49: {  	_ =	shalt  }
0x4a: {  	_ =	shalt  }
0x4b: {  	_ =	shalt  }
0x4c: {  	_ =	shalt  }
0x4d: {  	_ =	shalt  }
0x4e: {  	_ =	shalt  }
0x4f: {  	_ =	shalt  }
0x50: {  	_ =	shalt  }
0x51: {  	_ =	shalt  }
0x52: {  	_ =	shalt  }
0x53: {  	_ =	shalt  }
0x54: {  	_ =	shalt  }
0x55: {  	_ =	shalt  }
0x56: {  	_ =	shalt  }
0x57: {  	_ =	shalt  }
0x58: {  	_ =	shalt  }
0x59: {  	_ =	shalt  }
0x5a: {  	_ =	shalt  }
0x5b: {  	_ =	shalt  }
0x5c: {  	_ =	shalt  }
0x5d: {  	_ =	shalt  }
0x5e: {  	_ =	shalt  }
0x5f: {  	_ =	shalt  }
0x60: {  	_ =	shalt  }
0x61: {  	_ =	shalt  }
0x62: {  	_ =	shalt  }
0x63: {  	_ =	shalt  }
0x64: {  	_ =	shalt  }
0x65: {  	_ =	shalt  }
0x66: {  	_ =	shalt  }
0x67: {  	_ =	shalt  }
0x68: {  	_ =	shalt  }
0x69: {  	_ =	shalt  }
0x6a: {  	_ =	shalt  }
0x6b: {  	_ =	shalt  }
0x6c: {  	_ =	shalt  }
0x6d: {  	_ =	shalt  }
0x6e: {  	_ =	shalt  }
0x6f: {  	_ =	shalt  }
0x70: {  	_ =	shalt  }
0x71: {  	_ =	shalt  }
0x72: {  	_ =	shalt  }
0x73: {  	_ =	shalt  }
0x74: {  	_ =	shalt  }
0x75: {  	_ =	shalt  }
0x76: {  	_ =	shalt  }
0x77: {  	_ =	shalt  }
0x78: {  	_ =	shalt  }
0x79: {  	_ =	shalt  }
0x7a: {  	_ =	shalt  }
0x7b: {  	_ =	shalt  }
0x7c: {  	_ =	shalt  }
0x7d: {  	_ =	shalt  }
0x7e: {  	_ =	shalt  }
0x7f: {  	_ =	shalt  }
0x80: {  	_ =	shalt  }
0x81: {  	_ =	shalt  }
0x82: {  	_ =	shalt  }
0x83: {  	_ =	shalt  }
0x84: {  	_ =	shalt  }
0x85: {  	_ =	shalt  }
0x86: {  	_ =	shalt  }
0x87: {  	_ =	shalt  }
.Lfunc_end0:
.L_simem_size_0:
called_computation_lowered:
.L_overlay_start_0:
0x88: {  	s2 =	sld [smem:$0x3FD9]  }
0x89: {  	s3 =	sld [smem:$0x3FFE];
	_ =	sdelay $0x1  }
0x8a: {  	s1 =	srdreg.scid  }
0x8b: {  	s0 =	sand.u32 $0x1, s1  }
0x8c: {  	s14 =	sshll.u32 s0, $0xA;
	s2 =	sadd.s32 s3, s2  }
0x8d: {  	s2 =	sadd.s32 s2, s14  }
0x8e: {  	[smem:$0x3FC6] =	sst s2  }
0x8f: {  	_ = 	snop  }
0x90: {  	s2 =	sld [smem:$0x3FD0];
	_ =	sdelay $0x2  }
0x91: {  	s15 =	simm.s32 $0xA;
	s4 =	simm.s32 $0x10  }
0x92: {  	[smem:s4], [sflag:s15] =	dma.local [hbm:s2], $0x1  }
0x93: {  	_ =	swait.eq [sflag:s15], $0x1  }
0x94: {  	[sflag:s15] =	ssyncset.done $0x0  }
0x95: {  	s16 =	sld [smem:$0x12];
	[sflag:s15] =	ssyncadd.s32 $0xFFFFFFFF  }
0x96: {  	s17 =	sld [smem:$0x16];
	(tm) =	ssettm $0x1  }
0x97: {  	s18 =	sld [smem:$0x3FFB];
	_ =	sdelay $0x3  }
0x98: {  	_ =	strace s18  }
0x99: {  	s4 =	sld [smem:$0x3FFC];
	_ =	sdelay $0x3  }
0x9a: {  	_ =	strace s4  }
0x9b: {  	s4 =	sld [smem:$0x3FFD];
	_ =	sdelay $0x3  }
0x9c: {  	_ =	strace s4  }
0x9d: {  	_ =	strace $0x8FFFFFFF  }
0x9e: {  	s19 =	sld [smem:$0x3FDB];
	_ =	sdelay $0x1  }
0x9f: {  	s5 =	simm.s32 $_scs_section_size  }
0xa0: {  	s6 =	simm.s32 $_size__tile_overlayer_lowered;
	s7 =	simm.s32 $_tile_overlayer_lowered  }
0xa1: {  	s22 =	simm.s32 $0x1BFF;
	s21 =	sshll.u32 s7, $0x1;
	s4 =	sadd.s32 s5, s19  }
0xa2: {  	s8 =	simm.s32 $0x0;
	s20 =	sshll.u32 s6, $0x1;
	s6 =	sadd.s32 s21, s4  }
0xa3: {  	[timem:s8], [sflag:s22] =	dma.local [hbm:s6], s20  }
0xa4: {  	_ =	swait.ge [sflag:s22], s20  }
0xa5: {  	s5 =	ssub.s32 $0x0, s20;
	[sflag:s22] =	ssyncset.done $0x0  }
0xa6: {  	[sflag:s22] =	ssyncadd.s32 s5;
	_ =	sdelay $0x1  }
0xa7: {  	s23 =	simm.s32 $0x1B8B  }
0xa8: {  	_ =	swait.ge [sflag:s23], $0x1  }
0xa9: {  	[sflag:s23] =	ssyncset.done $0x0  }
0xaa: {  	s25 =	simm.s32 $0x1B8E;
	s24 =	sld [smem:$0x3FFE];
	[sflag:s23] =	ssyncadd.s32 $0xFFFFFFFF  }
0xab: {  	s26 =	simm.s32 $execute0_lowered;
	[smem:$0x3FD2] =	sst s25  }
0xac: {  	s6 =	sshll.u32 s26, $0x1;
	_ =	strace $0x80000046;
	[dreg:$0x1] =	wrdreg $0xFFFFFFFF  }
0xad: {  	s28 =	simm.s32 $_size_execute0_lowered;
	s4 =	sadd.s32 s4, s6;
	[dreg:$0x0] =	wrdreg $0x0  }
0xae: {  	s6 =	sshll.u32 s28, $0x1;
	[dreg:$0x2] =	wrdreg s4  }
0xaf: {  	[dreg:$0x3] =	wrdreg s6  }
0xb0: {  	[dreg:$0x4] =	wrdreg $0xC0  }
0xb1: {  	_ =	task [dreg:s8], $0x5FFFF  }
0xb2: {  	[dreg:$0x1] =	wrdreg $0xFFFFFFFF  }
0xb3: {  	[dreg:$0x0] =	wrdreg $0x60  }
0xb4: {  	[dreg:$0x2] =	wrdreg s24  }
0xb5: {  	[dreg:$0x3] =	wrdreg s16  }
0xb6: {  	[dreg:$0x4] =	wrdreg s17  }
0xb7: {  	[dreg:$0x5] =	wrdreg $0x9  }
0xb8: {  	_ =	task.clear_ibuf [dreg:s8], $0x6FFFF;
	_ =	strace $0x90000046  }
0xb9: {  	s29 =	simm.s32 $0x9;
	_ =	strace $0x80000048  }
0xba: {  	_ =	swait.ge [sflag:s29], $0x1  }
0xbb: {  	[sflag:s29] =	ssyncadd.s32 $0xFFFFFFFF  }
0xbc: {  	_ =	strace $0x90000048  }
0xbd: {  	_ =	sfence  }
0xbe: {  	s30 =	sld [smem:$0x0];
	_ =	sdelay $0x2  }
0xbf: {  	s31 =	sshll.u32 s1, $0xD;
	s1 =	sshrl.u32 s1, $0x2  }
0xc0: {  	s3 =	sand.u32 $0x4000, s31;
	s1 =	sadd.s32 s1, s30  }
0xc1: {  	s0 =	sor.u32 s3, s0;
	s1 =	sshll.u32 s1, $0x11  }
0xc2: {  	s0 =	sor.u32 s1, s0  }
0xc3: {  	s0 =	sadd.s32 $0x8F2B, s0  }
0xc4: {  	[sflag:s0] =	ssyncadd.remote.s32 $0x1  }
0xc5: {  	_ =	sfence.sel $0xFFFF  }
0xc6: {  	[dreg:$0x0] =	wrdreg $0xFFFFFFFF;
	(pc) =	sbr.abs _section_cstart, $3  }
0xc7: {  	[dreg:$0x1] =	wrdreg $0xFFFFFFFF  }
0xc8: {  	_ =	task.clear_ibuf [dreg:s8], $0x2FFFF;
	_ =	strace $0x9FFFFFFF  }
0xc9: {  	(tm) =	ssettm $0x7FFFFFFF  }
tec
execute0_lowered:
.L_overlay_start_1:
0x0: {  	(tag) =	ssettag $0x1  }
0x1: {  	s1 =	srdreg.scid  }
0x2: {  	s4 =	rddreg [dreg:$0x0];
	s0 =	stileid.u32;
	s9 =	sand.u32 $0x1, s1  }
0x3: {  	s2 =	rddreg [dreg:$0x1];
	s5 =	sshll.u32 s0, $0x6;
	s6 =	sshll.u32 s9, $0x5  }
0x4: {  	s8 =	rddreg [dreg:$0x2];
	s3 =	simm.s32 $0x0;
	s10 =	sor.u32 s6, s5  }
0x5: {  	[smem:$0x7FF] =	sst s3;
	s4 =	sadd.s32 s10, s4  }
0x6: {  	s1 =	rddreg [dreg:$0x3];
	_ =	strace $0x80000047;
	s4 =	sadd.s32 $0x600, s4  }
0x7: {  	[tilespmem:s3], [sflag:$0x1] =	stream.linear.gather [hbm4b:s4+s3], $0x100, $0x38;
	[tilespmem:$0x280] =	vst v63  }
0x8: {  	s5 =	simm.s32 $0x100;
	s6 =	simm.s32 $0x1  }
0x9: {  	[tilespmem:s5], [sflag:$0x2] =	stream.linear.gather [hbm4b:s2+s3], $0x80, $0x38;
	[tilespmem:$0x280] =	vst v63  }
0xa: {  	_ =	swait.ge [sflag:s6], $0x100  }
0xb: {  	[sflag:s6] =	ssyncset.done $0x0  }
0xc: {  	s7 =	simm.s32 $0x2;
	[sflag:s6] =	ssyncadd.s32 $0xFFFFFF00  }
0xd: {  	_ =	swait.ge [sflag:s7], $0x80  }
0xe: {  	[sflag:s7] =	ssyncset.done $0x0  }
0xf: {  	[sflag:s7] =	ssyncadd.s32 $0xFFFFFF80  }
0x10: {  	v0 =	vld [tilespmem:$0x0];
	_ =	sdelay $0x4  }
0x11: {  	v1 =	vshrl.u32 v0, $0xE;
	_ =	sdelay $0x3  }
0x12: {  	v2 =	vld [tilespmem:$0x10]  }
0x13: {  	v1 =	vld.idx.msk [tilespmem:v1+s5+$0x0], $0xffff;
	_ =	sdelay $0x3  }
0x14: {  	v0 =	vand.u32 $0x3FFF, v0;
	v3 =	vshrl.u32 v2, $0xE  }
0x15: {  	v0 =	vadd.s32 v1, v0  }
0x16: {  	vm0 =	vlt.s32 v0, $0x100  }
0x17: {  	v0 =	vnsel vm0, $0x0, v0  }
0x18: {  	v35 =	vld [tilespmem:$0x20];
	[tilespmem:$0x180] =	vst v0  }
0x19: {  	v0 =	vld.idx.msk [tilespmem:v3+s5+$0x0], $0xffff;
	_ =	sdelay $0x3  }
0x1a: {  	v2 =	vand.u32 $0x3FFF, v2;
	v36 =	vshrl.u32 v35, $0xE  }
0x1b: {  	v0 =	vadd.s32 v0, v2  }
0x1c: {  	vm13 =	vlt.s32 v0, $0x100  }
0x1d: {  	v0 =	vnsel vm13, $0x0, v0  }
0x1e: {  	v37 =	vld [tilespmem:$0x30];
	[tilespmem:$0x190] =	vst v0  }
0x1f: {  	v0 =	vld.idx.msk [tilespmem:v36+s5+$0x0], $0xffff;
	_ =	sdelay $0x3  }
0x20: {  	v38 =	vshrl.u32 v37, $0xE;
	v1 =	vand.u32 $0x3FFF, v35  }
0x21: {  	v0 =	vadd.s32 v0, v1  }
0x22: {  	vm14 =	vlt.s32 v0, $0x100  }
0x23: {  	v0 =	vnsel vm14, $0x0, v0  }
0x24: {  	v39 =	vld [tilespmem:$0x40];
	[tilespmem:$0x1A0] =	vst v0  }
0x25: {  	v0 =	vld.idx.msk [tilespmem:v38+s5+$0x0], $0xffff;
	_ =	sdelay $0x3  }
0x26: {  	v40 =	vshrl.u32 v39, $0xE;
	v2 =	vand.u32 $0x3FFF, v37  }
0x27: {  	v0 =	vadd.s32 v0, v2  }
0x28: {  	vm15 =	vlt.s32 v0, $0x100  }
0x29: {  	v0 =	vnsel vm15, $0x0, v0  }
0x2a: {  	v41 =	vld [tilespmem:$0x50];
	[tilespmem:$0x1B0] =	vst v0  }
0x2b: {  	v0 =	vld.idx.msk [tilespmem:v40+s5+$0x0], $0xffff;
	_ =	sdelay $0x3  }
0x2c: {  	v42 =	vshrl.u32 v41, $0xE;
	v1 =	vand.u32 $0x3FFF, v39  }
0x2d: {  	v0 =	vadd.s32 v0, v1  }
0x2e: {  	vm4 =	vlt.s32 v0, $0x100  }
0x2f: {  	v0 =	vnsel vm4, $0x0, v0  }
0x30: {  	v43 =	vld [tilespmem:$0x60];
	[tilespmem:$0x1C0] =	vst v0  }
0x31: {  	v0 =	vld.idx.msk [tilespmem:v42+s5+$0x0], $0xffff;
	_ =	sdelay $0x3  }
0x32: {  	v44 =	vshrl.u32 v43, $0xE;
	v2 =	vand.u32 $0x3FFF, v41  }
0x33: {  	v0 =	vadd.s32 v0, v2  }
0x34: {  	vm5 =	vlt.s32 v0, $0x100  }
0x35: {  	v0 =	vnsel vm5, $0x0, v0  }
0x36: {  	v45 =	vld [tilespmem:$0x70];
	[tilespmem:$0x1D0] =	vst v0  }
0x37: {  	v0 =	vld.idx.msk [tilespmem:v44+s5+$0x0], $0xffff;
	_ =	sdelay $0x3  }
0x38: {  	v46 =	vshrl.u32 v45, $0xE;
	v1 =	vand.u32 $0x3FFF, v43  }
0x39: {  	v0 =	vadd.s32 v0, v1  }
0x3a: {  	vm6 =	vlt.s32 v0, $0x100  }
0x3b: {  	v0 =	vnsel vm6, $0x0, v0  }
0x3c: {  	v47 =	vld [tilespmem:$0x80];
	[tilespmem:$0x1E0] =	vst v0  }
0x3d: {  	v0 =	vld.idx.msk [tilespmem:v46+s5+$0x0], $0xffff;
	_ =	sdelay $0x3  }
0x3e: {  	v48 =	vshrl.u32 v47, $0xE;
	v2 =	vand.u32 $0x3FFF, v45  }
0x3f: {  	v0 =	vadd.s32 v0, v2  }
0x40: {  	vm7 =	vlt.s32 v0, $0x100  }
0x41: {  	v0 =	vnsel vm7, $0x0, v0  }
0x42: {  	v49 =	vld [tilespmem:$0x90];
	[tilespmem:$0x1F0] =	vst v0  }
0x43: {  	v0 =	vld.idx.msk [tilespmem:v48+s5+$0x0], $0xffff;
	_ =	sdelay $0x3  }
0x44: {  	v50 =	vshrl.u32 v49, $0xE;
	v1 =	vand.u32 $0x3FFF, v47  }
0x45: {  	v0 =	vadd.s32 v0, v1  }
0x46: {  	vm8 =	vlt.s32 v0, $0x100  }
0x47: {  	v0 =	vnsel vm8, $0x0, v0  }
0x48: {  	v51 =	vld [tilespmem:$0xA0];
	[tilespmem:$0x200] =	vst v0  }
0x49: {  	v0 =	vld.idx.msk [tilespmem:v50+s5+$0x0], $0xffff;
	_ =	sdelay $0x3  }
0x4a: {  	v52 =	vshrl.u32 v51, $0xE;
	v2 =	vand.u32 $0x3FFF, v49  }
0x4b: {  	v0 =	vadd.s32 v0, v2  }
0x4c: {  	vm9 =	vlt.s32 v0, $0x100  }
0x4d: {  	v0 =	vnsel vm9, $0x0, v0  }
0x4e: {  	v53 =	vld [tilespmem:$0xB0];
	[tilespmem:$0x210] =	vst v0  }
0x4f: {  	v0 =	vld.idx.msk [tilespmem:v52+s5+$0x0], $0xffff;
	_ =	sdelay $0x3  }
0x50: {  	v54 =	vshrl.u32 v53, $0xE;
	v1 =	vand.u32 $0x3FFF, v51  }
0x51: {  	v0 =	vadd.s32 v0, v1  }
0x52: {  	vm10 =	vlt.s32 v0, $0x100  }
0x53: {  	v0 =	vnsel vm10, $0x0, v0  }
0x54: {  	v55 =	vld [tilespmem:$0xC0];
	[tilespmem:$0x220] =	vst v0  }
0x55: {  	v0 =	vld.idx.msk [tilespmem:v54+s5+$0x0], $0xffff;
	_ =	sdelay $0x3  }
0x56: {  	v56 =	vshrl.u32 v55, $0xE;
	v2 =	vand.u32 $0x3FFF, v53  }
0x57: {  	v0 =	vadd.s32 v0, v2  }
0x58: {  	vm11 =	vlt.s32 v0, $0x100  }
0x59: {  	v0 =	vnsel vm11, $0x0, v0  }
0x5a: {  	v57 =	vld [tilespmem:$0xD0];
	[tilespmem:$0x230] =	vst v0  }
0x5b: {  	v0 =	vld.idx.msk [tilespmem:v56+s5+$0x0], $0xffff;
	_ =	sdelay $0x3  }
0x5c: {  	v58 =	vshrl.u32 v57, $0xE;
	v1 =	vand.u32 $0x3FFF, v55  }
0x5d: {  	v0 =	vadd.s32 v0, v1  }
0x5e: {  	vm12 =	vlt.s32 v0, $0x100  }
0x5f: {  	v0 =	vnsel vm12, $0x0, v0  }
0x60: {  	v59 =	vld [tilespmem:$0xE0];
	[tilespmem:$0x240] =	vst v0  }
0x61: {  	v0 =	vld.idx.msk [tilespmem:v58+s5+$0x0], $0xffff;
	_ =	sdelay $0x3  }
0x62: {  	v60 =	vshrl.u32 v59, $0xE;
	v2 =	vand.u32 $0x3FFF, v57  }
0x63: {  	v0 =	vadd.s32 v0, v2  }
0x64: {  	vm13 =	vlt.s32 v0, $0x100  }
0x65: {  	v0 =	vnsel vm13, $0x0, v0  }
0x66: {  	v61 =	vld [tilespmem:$0xF0];
	[tilespmem:$0x250] =	vst v0  }
0x67: {  	v0 =	vld.idx.msk [tilespmem:v60+s5+$0x0], $0xffff;
	_ =	sdelay $0x3  }
0x68: {  	v62 =	vshrl.u32 v61, $0xE;
	v1 =	vand.u32 $0x3FFF, v59  }
0x69: {  	v0 =	vadd.s32 v0, v1  }
0x6a: {  	vm14 =	vlt.s32 v0, $0x100  }
0x6b: {  	v0 =	vnsel vm14, $0x0, v0  }
0x6c: {  	[tilespmem:$0x260] =	vst v0  }
0x6d: {  	v0 =	vld.idx.msk [tilespmem:v62+s5+$0x0], $0xffff;
	_ =	sdelay $0x1  }
0x6e: {  	s9 =	ssub.s32 $0x2, s9  }
0x6f: {  	s11 =	sshrl.u32 s9, $0x1  }
0x70: {  	s9 =	ssub.s32 s9, s11;
	v63 =	vand.u32 $0x3FFF, v61  }
0x71: {  	s11 =	smax.u32 s9, $0x1;
	v0 =	vadd.s32 v0, v63  }
0x72: {  	p0 =	sne.s32 s11, $0x1;
	vm15 =	vlt.s32 v0, $0x100  }
.Ltmp0:
0x73: {  	v0 =	vnsel vm15, $0x0, v0;
	(pc) =	sbr.rel @!p0 .LBB2_2-.Ltmp0, $4  }
0x74: {  	s8 =	sadd.s32 s8, s10;
	s10 =	simm.s32 $0x180;
	s9 =	simm.s32 $0x3;
	[tilespmem:$0x270] =	vst v0  }
0x75: {  	[hbm4b:s8+s3] =	stream.linear.scatter [tilespmem:s10], [sflag:$0x3], $0x100, $0x38;
	[tilespmem:$0x280] =	vst v63  }
0x76: {  	_ =	swait.ge [sflag:s9], $0x100  }
0x77: {  	s11 =	sadd.s32 $0xFFFFFFFF, s11;
	[sflag:s9] =	ssyncset.done $0x0  }
.LBB2_1:
0x78: {  	p0 =	sne.s32 s11, $0x1;
	s11 =	sadd.s32 $0xFFFFFFFF, s11;
	[sflag:s9] =	ssyncadd.s32 $0xFFFFFF00  }
0x79: {  	[tilespmem:s3], [sflag:$0x1] =	stream.linear.gather [hbm4b:s4+s3], $0x100, $0x38;
	[tilespmem:$0x280] =	vst v63  }
0x7a: {  	_ = 	snop  }
0x7b: {  	[tilespmem:s5], [sflag:$0x2] =	stream.linear.gather [hbm4b:s2+s3], $0x80, $0x38;
	[tilespmem:$0x280] =	vst v63  }
0x7c: {  	_ =	swait.ge [sflag:s6], $0x100  }
0x7d: {  	[sflag:s6] =	ssyncset.done $0x0  }
0x7e: {  	[sflag:s6] =	ssyncadd.s32 $0xFFFFFF00  }
0x7f: {  	_ =	swait.ge [sflag:s7], $0x80  }
0x80: {  	[sflag:s7] =	ssyncset.done $0x0  }
0x81: {  	[sflag:s7] =	ssyncadd.s32 $0xFFFFFF80  }
0x82: {  	v0 =	vld [tilespmem:$0x0]  }
0x83: {  	v9 =	vld [tilespmem:$0x10]  }
0x84: {  	v10 =	vld [tilespmem:$0x20]  }
0x85: {  	v11 =	vld [tilespmem:$0x30]  }
0x86: {  	v12 =	vld [tilespmem:$0x40]  }
0x87: {  	v1 =	vshrl.u32 v0, $0xE;
	v13 =	vld [tilespmem:$0x50]  }
0x88: {  	v14 =	vld [tilespmem:$0x60]  }
0x89: {  	v8 =	vld [tilespmem:$0x70]  }
0x8a: {  	v7 =	vld [tilespmem:$0x80]  }
0x8b: {  	v6 =	vld [tilespmem:$0x90]  }
0x8c: {  	v15 =	vld.idx.msk [tilespmem:v1+s5+$0x0], $0xffff  }
0x8d: {  	v5 =	vld [tilespmem:$0xA0]  }
0x8e: {  	v4 =	vld [tilespmem:$0xB0]  }
0x8f: {  	v3 =	vld [tilespmem:$0xC0]  }
0x90: {  	v2 =	vld [tilespmem:$0xD0]  }
0x91: {  	v0 =	vand.u32 $0x3FFF, v0;
	v16 =	vshrl.u32 v9, $0xE;
	v1 =	vld [tilespmem:$0xE0]  }
0x92: {  	v15 =	vadd.s32 v15, v0;
	v0 =	vld [tilespmem:$0xF0]  }
0x93: {  	vm0 =	vlt.s32 v15, $0x100  }
0x94: {  	v15 =	vnsel vm0, $0x0, v15  }
0x95: {  	[tilespmem:$0x180] =	vst v15  }
0x96: {  	v15 =	vld.idx.msk [tilespmem:v16+s5+$0x0], $0xffff;
	_ =	sdelay $0x4  }
0x97: {  	v9 =	vand.u32 $0x3FFF, v9;
	v16 =	vshrl.u32 v10, $0xE  }
0x98: {  	v9 =	vadd.s32 v15, v9  }
0x99: {  	vm0 =	vlt.s32 v9, $0x100  }
0x9a: {  	v9 =	vnsel vm0, $0x0, v9  }
0x9b: {  	[tilespmem:$0x190] =	vst v9  }
0x9c: {  	v9 =	vld.idx.msk [tilespmem:v16+s5+$0x0], $0xffff;
	_ =	sdelay $0x4  }
0x9d: {  	v10 =	vand.u32 $0x3FFF, v10;
	v15 =	vshrl.u32 v11, $0xE  }
0x9e: {  	v9 =	vadd.s32 v9, v10  }
0x9f: {  	vm0 =	vlt.s32 v9, $0x100  }
0xa0: {  	v9 =	vnsel vm0, $0x0, v9  }
0xa1: {  	[tilespmem:$0x1A0] =	vst v9  }
0xa2: {  	v9 =	vld.idx.msk [tilespmem:v15+s5+$0x0], $0xffff;
	_ =	sdelay $0x4  }
0xa3: {  	v10 =	vand.u32 $0x3FFF, v11;
	v11 =	vshrl.u32 v12, $0xE  }
0xa4: {  	v9 =	vadd.s32 v9, v10  }
0xa5: {  	vm0 =	vlt.s32 v9, $0x100  }
0xa6: {  	v9 =	vnsel vm0, $0x0, v9  }
0xa7: {  	[tilespmem:$0x1B0] =	vst v9  }
0xa8: {  	v9 =	vld.idx.msk [tilespmem:v11+s5+$0x0], $0xffff;
	_ =	sdelay $0x4  }
0xa9: {  	v10 =	vand.u32 $0x3FFF, v12;
	v11 =	vshrl.u32 v13, $0xE  }
0xaa: {  	v9 =	vadd.s32 v9, v10  }
0xab: {  	vm0 =	vlt.s32 v9, $0x100  }
0xac: {  	v9 =	vnsel vm0, $0x0, v9  }
0xad: {  	[tilespmem:$0x1C0] =	vst v9  }
0xae: {  	v9 =	vld.idx.msk [tilespmem:v11+s5+$0x0], $0xffff;
	_ =	sdelay $0x4  }
0xaf: {  	v10 =	vand.u32 $0x3FFF, v13;
	v11 =	vshrl.u32 v14, $0xE  }
0xb0: {  	v9 =	vadd.s32 v9, v10  }
0xb1: {  	vm0 =	vlt.s32 v9, $0x100  }
0xb2: {  	v9 =	vnsel vm0, $0x0, v9  }
0xb3: {  	[tilespmem:$0x1D0] =	vst v9  }
0xb4: {  	v9 =	vld.idx.msk [tilespmem:v11+s5+$0x0], $0xffff;
	_ =	sdelay $0x4  }
0xb5: {  	v10 =	vand.u32 $0x3FFF, v14;
	v11 =	vshrl.u32 v8, $0xE  }
0xb6: {  	v9 =	vadd.s32 v9, v10  }
0xb7: {  	vm0 =	vlt.s32 v9, $0x100  }
0xb8: {  	v9 =	vnsel vm0, $0x0, v9  }
0xb9: {  	[tilespmem:$0x1E0] =	vst v9  }
0xba: {  	v9 =	vld.idx.msk [tilespmem:v11+s5+$0x0], $0xffff;
	_ =	sdelay $0x4  }
0xbb: {  	v8 =	vand.u32 $0x3FFF, v8;
	v10 =	vshrl.u32 v7, $0xE  }
0xbc: {  	v8 =	vadd.s32 v9, v8  }
0xbd: {  	vm0 =	vlt.s32 v8, $0x100  }
0xbe: {  	v8 =	vnsel vm0, $0x0, v8  }
0xbf: {  	[tilespmem:$0x1F0] =	vst v8  }
0xc0: {  	v8 =	vld.idx.msk [tilespmem:v10+s5+$0x0], $0xffff;
	_ =	sdelay $0x4  }
0xc1: {  	v7 =	vand.u32 $0x3FFF, v7;
	v9 =	vshrl.u32 v6, $0xE  }
0xc2: {  	v7 =	vadd.s32 v8, v7  }
0xc3: {  	vm0 =	vlt.s32 v7, $0x100  }
0xc4: {  	v7 =	vnsel vm0, $0x0, v7  }
0xc5: {  	[tilespmem:$0x200] =	vst v7  }
0xc6: {  	v7 =	vld.idx.msk [tilespmem:v9+s5+$0x0], $0xffff;
	_ =	sdelay $0x4  }
0xc7: {  	v6 =	vand.u32 $0x3FFF, v6;
	v8 =	vshrl.u32 v5, $0xE  }
0xc8: {  	v6 =	vadd.s32 v7, v6  }
0xc9: {  	vm0 =	vlt.s32 v6, $0x100  }
0xca: {  	v6 =	vnsel vm0, $0x0, v6  }
0xcb: {  	[tilespmem:$0x210] =	vst v6  }
0xcc: {  	v6 =	vld.idx.msk [tilespmem:v8+s5+$0x0], $0xffff;
	_ =	sdelay $0x4  }
0xcd: {  	v5 =	vand.u32 $0x3FFF, v5;
	v7 =	vshrl.u32 v4, $0xE  }
0xce: {  	v5 =	vadd.s32 v6, v5  }
0xcf: {  	vm0 =	vlt.s32 v5, $0x100  }
0xd0: {  	v5 =	vnsel vm0, $0x0, v5  }
0xd1: {  	[tilespmem:$0x220] =	vst v5  }
0xd2: {  	v5 =	vld.idx.msk [tilespmem:v7+s5+$0x0], $0xffff;
	_ =	sdelay $0x4  }
0xd3: {  	v4 =	vand.u32 $0x3FFF, v4;
	v6 =	vshrl.u32 v3, $0xE  }
0xd4: {  	v4 =	vadd.s32 v5, v4  }
0xd5: {  	vm0 =	vlt.s32 v4, $0x100  }
0xd6: {  	v4 =	vnsel vm0, $0x0, v4  }
0xd7: {  	[tilespmem:$0x230] =	vst v4  }
0xd8: {  	v4 =	vld.idx.msk [tilespmem:v6+s5+$0x0], $0xffff;
	_ =	sdelay $0x4  }
0xd9: {  	v3 =	vand.u32 $0x3FFF, v3;
	v5 =	vshrl.u32 v2, $0xE  }
0xda: {  	v3 =	vadd.s32 v4, v3  }
0xdb: {  	vm0 =	vlt.s32 v3, $0x100  }
0xdc: {  	v3 =	vnsel vm0, $0x0, v3  }
0xdd: {  	[tilespmem:$0x240] =	vst v3  }
0xde: {  	v3 =	vld.idx.msk [tilespmem:v5+s5+$0x0], $0xffff;
	_ =	sdelay $0x4  }
0xdf: {  	v2 =	vand.u32 $0x3FFF, v2;
	v4 =	vshrl.u32 v1, $0xE  }
0xe0: {  	v2 =	vadd.s32 v3, v2  }
0xe1: {  	vm0 =	vlt.s32 v2, $0x100  }
0xe2: {  	v2 =	vnsel vm0, $0x0, v2  }
0xe3: {  	[tilespmem:$0x250] =	vst v2  }
0xe4: {  	v2 =	vld.idx.msk [tilespmem:v4+s5+$0x0], $0xffff;
	_ =	sdelay $0x4  }
0xe5: {  	v1 =	vand.u32 $0x3FFF, v1;
	v3 =	vshrl.u32 v0, $0xE  }
0xe6: {  	v1 =	vadd.s32 v2, v1  }
0xe7: {  	vm0 =	vlt.s32 v1, $0x100  }
0xe8: {  	v1 =	vnsel vm0, $0x0, v1  }
0xe9: {  	[tilespmem:$0x260] =	vst v1  }
0xea: {  	v1 =	vld.idx.msk [tilespmem:v3+s5+$0x0], $0xffff;
	_ =	sdelay $0x4  }
0xeb: {  	v0 =	vand.u32 $0x3FFF, v0  }
0xec: {  	v0 =	vadd.s32 v1, v0  }
0xed: {  	vm0 =	vlt.s32 v0, $0x100  }
.Ltmp1:
0xee: {  	v0 =	vnsel vm0, $0x0, v0;
	(pc) =	sbr.rel @p0 .LBB2_1-.Ltmp1, $4  }
0xef: {  	[tilespmem:$0x270] =	vst v0  }
0xf0: {  	[hbm4b:s8+s3] =	stream.linear.scatter [tilespmem:s10], [sflag:$0x3], $0x100, $0x38;
	[tilespmem:$0x280] =	vst v63  }
0xf1: {  	_ =	swait.ge [sflag:s9], $0x100  }
0xf2: {  	[sflag:s9] =	ssyncset.done $0x0  }
.LBB2_2:
0xf3: {  	[sflag:s9] =	ssyncadd.s32 $0xFFFFFF00  }
0xf4: {  	_ =	sfence.sel $0x180000  }
0xf5: {  	[bflag:$0x0] =	sbarrier.arrive $0xFFFF  }
0xf6: {  	p0 =	sne.s32 s0, $0x0;
	_ =	strace $0x90000047  }
0xf7: {  	s0 =	sadd.s32 @!p0 $0x100000, s1;
	[bflag:$0x2] =	sbarrier.arrive $0xFFFF  }
0xf8: {  	[sflag:s0] =	ssyncadd.tile.s32 @!p0 $0x1;
	_ =	shalt  }
.Lfunc_end2:
_tile_overlayer_lowered:
.L_overlay_start_2:
0xf9: {  	(tag) =	ssettag $0x2  }
0xfa: {  	s0 =	rddreg [dreg:$0x0];
	s2 =	stileid.u32  }
0xfb: {  	s1 =	rddreg [dreg:$0x1];
	p0 =	sne.s32 s2, $0x0  }
0xfc: {  	s3 =	rddreg [dreg:$0x2];
	[bflag:$0x3] =	sbarrier.arrive $0xFFFF;
	s2 =	simm.s32 @!p0 $0x1C03  }
0xfd: {  	[timem:s3], [sflag:s2] =	dma.local @!p0 [hbm:s0], s1  }
0xfe: {  	s0 =	simm.s32 @!p0 $0x3  }
0xff: {  	_ =	swait.ge @!p0 [sflag:s0], s1  }
0x100: {  	s1 =	ssub.s32 @!p0 $0x0, s1;
	[sflag:s0] =	ssyncset.done @!p0 $0x0  }
0x101: {  	[sflag:s0] =	ssyncadd.s32 @!p0 s1  }
0x102: {  	[bflag:$0x3] =	sbarrier.arrive $0xFFFF  }
0x103: {  	_ =	shalt  }

</sc_bundles>
